<compile_context>
chip_gen: v7x
topology: tpu7x:2x2x1
jax: 0.10.2.dev20260603
libtpu: 0.0.44.dev20260713+nightly
codegen_flags: <defaults>
</compile_context>

<pallas_src>
import jax
import jax.numpy as jnp
from jax import lax
from jax.experimental import pallas as pl
from jax.experimental.pallas import tpu as pltpu
from jax.experimental.pallas import tpu_sc as plsc

N_NODES = 16384
DIM = 32
NUM_CORES = 2
NUM_SUBCORES = 16
NUM_WORKERS = NUM_CORES * NUM_SUBCORES
B_PER_W = N_NODES // NUM_WORKERS


def _gather_body(ids_hbm, cid_hbm, table_hbm, nodes_out, char_out,
                 idx_v, cidx_v, rows_v, crow_v, sem, csem, osem):
    wid = lax.axis_index("s") * NUM_CORES + lax.axis_index("c")
    base = wid * B_PER_W

    pltpu.sync_copy(ids_hbm.at[pl.ds(base, B_PER_W)], idx_v)

    @pl.when(wid == 0)
    def _():
        pltpu.sync_copy(cid_hbm, cidx_v.at[pl.ds(0, 1)])
        cv = cidx_v[...]
        pltpu.async_copy(table_hbm.at[pl.ds(cv[0], 1), :], crow_v, csem)

    def issue(g, _):
        v = idx_v[pl.ds(g * 16, 16)]
        for l in range(16):
            pltpu.async_copy(
                table_hbm.at[pl.ds(v[l], 1), :],
                rows_v.at[pl.ds(g * 16 + l, 1), :],
                sem,
            )
        return ()

    lax.fori_loop(0, B_PER_W // 16, issue, ())

    def drain(j, _):
        pltpu.make_async_copy(
            table_hbm.at[pl.ds(0, 1), :],
            rows_v.at[pl.ds(j, 1), :],
            sem,
        ).wait()
        return ()

    lax.fori_loop(0, B_PER_W, drain, (), unroll=8)

    pltpu.async_copy(rows_v, nodes_out.at[pl.ds(base, B_PER_W)], osem).wait()

    @pl.when(wid == 0)
    def _():
        pltpu.make_async_copy(table_hbm.at[pl.ds(0, 1), :], crow_v, csem).wait()
        pltpu.sync_copy(crow_v, char_out)


def kernel(node_name_ids, char_id, object_embedding):
    mesh = plsc.VectorSubcoreMesh(core_axis_name="c", subcore_axis_name="s")
    f = pl.kernel(
        _gather_body,
        mesh=mesh,
        out_type=(
            jax.ShapeDtypeStruct((N_NODES, DIM), jnp.float32),
            jax.ShapeDtypeStruct((1, DIM), jnp.float32),
        ),
        scratch_types=[
            pltpu.VMEM((B_PER_W,), jnp.int32),
            pltpu.VMEM((16,), jnp.int32),
            pltpu.VMEM((B_PER_W, DIM), jnp.float32),
            pltpu.VMEM((1, DIM), jnp.float32),
            pltpu.SemaphoreType.DMA,
            pltpu.SemaphoreType.DMA,
            pltpu.SemaphoreType.DMA,
        ],
        compiler_params=pltpu.CompilerParams(use_tc_tiling_on_sc=True),
    )
    node_embeddings, char_embedding = f(
        node_name_ids.astype(jnp.int32),
        char_id.astype(jnp.int32),
        object_embedding,
    )
    return (node_embeddings, char_embedding)

# --- scband reference (transcript-rebuilt; emitter-appended) ---
"""Pipeline reference for scband-state-representation-89859305767722 (READ-ONLY COPY).

The authoritative reference and input builder live on the scoring server;
editing this copy changes nothing except your own understanding.
"""

import jax, jax.numpy as jnp
import numpy as np

NUM_EMBEDDINGS = 100000
OBJECT_DIM = 32
N_NODES = 16384

def setup_inputs(seed: int = 0) -> dict:
    key = jax.random.key(seed)
    k1, k2, k3 = jax.random.split(key, 3)
    node_name_ids = jax.random.randint(k1, (N_NODES,), 0, NUM_EMBEDDINGS, dtype=jnp.int64 if jax.config.jax_enable_x64 else jnp.int32)
    char_id = jax.random.randint(k2, (1,), 0, NUM_EMBEDDINGS, dtype=jnp.int64 if jax.config.jax_enable_x64 else jnp.int32)
    object_embedding = jax.random.normal(k3, (NUM_EMBEDDINGS, OBJECT_DIM), dtype=jnp.float32)
    return {"node_name_ids": node_name_ids, "char_id": char_id, "object_embedding": object_embedding}

def reference(node_name_ids, char_id, object_embedding):
    # Faithful translation of StateRepresentation.forward:
    # node name ids and char id are looked up in the object embedding table.
    node_embeddings = jnp.take(object_embedding, node_name_ids, axis=0)
    char_embedding = jnp.take(object_embedding, char_id, axis=0)
    return (node_embeddings, char_embedding)

if __name__ == "__main__":
    import jax
    _d = setup_inputs()
    print(jax.jit(kernel)(*tuple(_d.values())))

</pallas_src>

<mosaic_0001>
#map = affine_map<(d0, d1) -> (0)>
#map1 = affine_map<(d0, d1) -> (0, 0)>
module attributes {stable_mosaic.version = 14 : i64} {
  func.func @_gather_body(%arg0: i32, %arg1: i32, %arg2: memref<16384xi32, #tpu.memory_space<hbm>>, %arg3: memref<1xi32, #tpu.memory_space<hbm>>, %arg4: memref<100000x32xf32, #tpu.memory_space<hbm>>, %arg5: memref<16384x32xf32, #tpu.memory_space<hbm>>, %arg6: memref<1x32xf32, #tpu.memory_space<hbm>>, %arg7: memref<512xi32, #tpu.memory_space<vmem>>, %arg8: memref<16xi32, #tpu.memory_space<vmem>>, %arg9: memref<512x32xf32, #tpu.memory_space<vmem>>, %arg10: memref<1x32xf32, #tpu.memory_space<vmem>>, %arg11: memref<!tpu.dma_semaphore, #tpu.memory_space<semaphore_mem>>, %arg12: memref<!tpu.dma_semaphore, #tpu.memory_space<semaphore_mem>>, %arg13: memref<!tpu.dma_semaphore, #tpu.memory_space<semaphore_mem>>) attributes {dimension_semantics = [#tpu.dimension_semantics<core_parallel>, #tpu.dimension_semantics<subcore_parallel>], iteration_bounds = array<i64: 2, 16>, scalar_prefetch = 0 : i64, scratch_operands = 7 : i64, tpu.core_type = #tpu.core_type<sc_vector_subcore>, window_params = [{transform_indices = #map}, {transform_indices = #map}, {transform_indices = #map1}, {transform_indices = #map1}, {transform_indices = #map1}]} {
    %mul3A = arith.constant 2 : i32
    %mul3A_0 = arith.muli %arg1, %mul3A : i32
    %add3A = arith.addi %mul3A_0, %arg0 : i32
    %mul3A_1 = arith.constant 512 : i32
    %mul3A_2 = arith.muli %add3A, %mul3A_1 : i32
    "tpu.region"() ({
      %run_scoped3A = tpu.sem_alloc : memref<!tpu.dma_semaphore, #tpu.memory_space<semaphore_mem>>
      %dma_start3A_25 = tpu.memref_slice %arg2[%mul3A_2] : memref<16384xi32, #tpu.memory_space<hbm>> -> memref<512xi32, #tpu.memory_space<hbm>>
      %dma_start3A_26 = tpu.memref_slice %arg2[%mul3A_2] : memref<16384xi32, #tpu.memory_space<hbm>> -> memref<512xi32, #tpu.memory_space<hbm>>
      tpu.enqueue_dma source(%dma_start3A_26 : memref<512xi32, #tpu.memory_space<hbm>>) target(%arg7 : memref<512xi32, #tpu.memory_space<vmem>>) target_semaphore(%run_scoped3A : memref<!tpu.dma_semaphore, #tpu.memory_space<semaphore_mem>>)
      %dma_wait3A_27 = tpu.memref_slice %arg2[%mul3A_2] : memref<16384xi32, #tpu.memory_space<hbm>> -> memref<512xi32, #tpu.memory_space<hbm>>
      %dma_wait3A_28 = tpu.memref_slice %arg2[%mul3A_2] : memref<16384xi32, #tpu.memory_space<hbm>> -> memref<512xi32, #tpu.memory_space<hbm>>
      tpu.wait_dma2 semaphore(%run_scoped3A : memref<!tpu.dma_semaphore, #tpu.memory_space<semaphore_mem>>) src(%dma_wait3A_28 : memref<512xi32, #tpu.memory_space<hbm>>) dst(%arg7 : memref<512xi32, #tpu.memory_space<vmem>>)
      tpu.yield
    }) : () -> ()
    %eq3A = arith.constant 0 : i32
    %eq3A_3 = arith.cmpi eq, %add3A, %eq3A : i32
    %convert_element_type3A = arith.extui %eq3A_3 : i1 to i32
    %cond3A = arith.constant 0 : i32
    %cond3A_4 = arith.cmpi ne, %convert_element_type3A, %cond3A : i32
    scf.if %cond3A_4 {
      "tpu.region"() ({
        %run_scoped3A = tpu.sem_alloc : memref<!tpu.dma_semaphore, #tpu.memory_space<semaphore_mem>>
        %dma_start3A_31 = arith.constant 0 : i32
        %dma_start3A_32 = tpu.memref_slice %arg8[%dma_start3A_31] : memref<16xi32, #tpu.memory_space<vmem>> -> memref<1xi32, #tpu.memory_space<vmem>>
        %dma_start3A_33 = arith.constant 0 : i32
        %dma_start3A_34 = tpu.memref_slice %arg8[%dma_start3A_33] : memref<16xi32, #tpu.memory_space<vmem>> -> memref<1xi32, #tpu.memory_space<vmem>>
        tpu.enqueue_dma source(%arg3 : memref<1xi32, #tpu.memory_space<hbm>>) target(%dma_start3A_34 : memref<1xi32, #tpu.memory_space<vmem>>) target_semaphore(%run_scoped3A : memref<!tpu.dma_semaphore, #tpu.memory_space<semaphore_mem>>)
        %dma_wait3A_35 = arith.constant 0 : i32
        %dma_wait3A_36 = tpu.memref_slice %arg8[%dma_wait3A_35] : memref<16xi32, #tpu.memory_space<vmem>> -> memref<1xi32, #tpu.memory_space<vmem>>
        %dma_wait3A_37 = arith.constant 0 : i32
        %dma_wait3A_38 = tpu.memref_slice %arg8[%dma_wait3A_37] : memref<16xi32, #tpu.memory_space<vmem>> -> memref<1xi32, #tpu.memory_space<vmem>>
        tpu.wait_dma2 semaphore(%run_scoped3A : memref<!tpu.dma_semaphore, #tpu.memory_space<semaphore_mem>>) src(%arg3 : memref<1xi32, #tpu.memory_space<hbm>>) dst(%dma_wait3A_38 : memref<1xi32, #tpu.memory_space<vmem>>)
        tpu.yield
      }) : () -> ()
      %get3A = arith.constant 0 : index
      %get3A_25 = tpu.vector_load %arg8[%get3A] {strides = array<i32>} : memref<16xi32, #tpu.memory_space<vmem>>, vector<16xi32>,
      %get3A_26 = vector.shape_cast %get3A_25 : vector<16xi32> to vector<16xi32>
      %slice3A = vector.extract_strided_slice %get3A_26 {offsets = [0], sizes = [1], strides = [1]} : vector<16xi32> to vector<1xi32>
      %squeeze3A = vector.extract %slice3A[0] : i32 from vector<1xi32>
      %dma_start3A_27 = arith.constant 0 : i32
      %dma_start3A_28 = tpu.memref_slice %arg4[%squeeze3A, %dma_start3A_27] : memref<100000x32xf32, #tpu.memory_space<hbm>> -> memref<1x32xf32, #tpu.memory_space<hbm>>
      %dma_start3A_29 = arith.constant 0 : i32
      %dma_start3A_30 = tpu.memref_slice %arg4[%squeeze3A, %dma_start3A_29] : memref<100000x32xf32, #tpu.memory_space<hbm>> -> memref<1x32xf32, #tpu.memory_space<hbm>>
      tpu.enqueue_dma source(%dma_start3A_30 : memref<1x32xf32, #tpu.memory_space<hbm>>) target(%arg10 : memref<1x32xf32, #tpu.memory_space<vmem>>) target_semaphore(%arg12 : memref<!tpu.dma_semaphore, #tpu.memory_space<semaphore_mem>>)
    } else {
    }
    %scan3A = arith.constant 0 : i32
    %scan3A_5 = arith.constant 32 : i32
    %scan3A_6 = arith.addi %scan3A, %scan3A_5 : i32
    %scan3A_7 = arith.constant 1 : i32
    scf.for %scan3A_25 = %scan3A to %scan3A_6 step %scan3A_7  : i32 {
      %mul3A_26 = arith.constant 16 : i32
      %mul3A_27 = arith.muli %scan3A_25, %mul3A_26 : i32
      %get3A = arith.index_cast %mul3A_27 : i32 to index
      %get3A_28 = tpu.vector_load %arg7[%get3A] {strides = array<i32>} : memref<512xi32, #tpu.memory_space<vmem>>, vector<16xi32>,
      %get3A_29 = vector.shape_cast %get3A_28 : vector<16xi32> to vector<16xi32>
      %slice3A = vector.extract_strided_slice %get3A_29 {offsets = [0], sizes = [1], strides = [1]} : vector<16xi32> to vector<1xi32>
      %squeeze3A = vector.extract %slice3A[0] : i32 from vector<1xi32>
      %mul3A_30 = arith.constant 16 : i32
      %mul3A_31 = arith.muli %scan3A_25, %mul3A_30 : i32
      %add3A_32 = arith.constant 0 : i32
      %add3A_33 = arith.addi %mul3A_31, %add3A_32 : i32
      %dma_start3A_34 = arith.constant 0 : i32
      %dma_start3A_35 = tpu.memref_slice %arg9[%add3A_33, %dma_start3A_34] : memref<512x32xf32, #tpu.memory_space<vmem>> -> memref<1x32xf32, #tpu.memory_space<vmem>>
      %dma_start3A_36 = arith.constant 0 : i32
      %dma_start3A_37 = tpu.memref_slice %arg4[%squeeze3A, %dma_start3A_36] : memref<100000x32xf32, #tpu.memory_space<hbm>> -> memref<1x32xf32, #tpu.memory_space<hbm>>
      %dma_start3A_38 = arith.constant 0 : i32
      %dma_start3A_39 = tpu.memref_slice %arg9[%add3A_33, %dma_start3A_38] : memref<512x32xf32, #tpu.memory_space<vmem>> -> memref<1x32xf32, #tpu.memory_space<vmem>>
      %dma_start3A_40 = arith.constant 0 : i32
      %dma_start3A_41 = tpu.memref_slice %arg4[%squeeze3A, %dma_start3A_40] : memref<100000x32xf32, #tpu.memory_space<hbm>> -> memref<1x32xf32, #tpu.memory_space<hbm>>
      tpu.enqueue_dma source(%dma_start3A_41 : memref<1x32xf32, #tpu.memory_space<hbm>>) target(%dma_start3A_39 : memref<1x32xf32, #tpu.memory_space<vmem>>) target_semaphore(%arg11 : memref<!tpu.dma_semaphore, #tpu.memory_space<semaphore_mem>>)
      %slice3A_42 = vector.extract_strided_slice %get3A_29 {offsets = [1], sizes = [1], strides = [1]} : vector<16xi32> to vector<1xi32>
      %squeeze3A_43 = vector.extract %slice3A_42[0] : i32 from vector<1xi32>
      %mul3A_44 = arith.constant 16 : i32
      %mul3A_45 = arith.muli %scan3A_25, %mul3A_44 : i32
      %add3A_46 = arith.constant 1 : i32
      %add3A_47 = arith.addi %mul3A_45, %add3A_46 : i32
      %dma_start3A_48 = arith.constant 0 : i32
      %dma_start3A_49 = tpu.memref_slice %arg9[%add3A_47, %dma_start3A_48] : memref<512x32xf32, #tpu.memory_space<vmem>> -> memref<1x32xf32, #tpu.memory_space<vmem>>
      %dma_start3A_50 = arith.constant 0 : i32
      %dma_start3A_51 = tpu.memref_slice %arg4[%squeeze3A_43, %dma_start3A_50] : memref<100000x32xf32, #tpu.memory_space<hbm>> -> memref<1x32xf32, #tpu.memory_space<hbm>>
      %dma_start3A_52 = arith.constant 0 : i32
      %dma_start3A_53 = tpu.memref_slice %arg9[%add3A_47, %dma_start3A_52] : memref<512x32xf32, #tpu.memory_space<vmem>> -> memref<1x32xf32, #tpu.memory_space<vmem>>
      %dma_start3A_54 = arith.constant 0 : i32
      %dma_start3A_55 = tpu.memref_slice %arg4[%squeeze3A_43, %dma_start3A_54] : memref<100000x32xf32, #tpu.memory_space<hbm>> -> memref<1x32xf32, #tpu.memory_space<hbm>>
      tpu.enqueue_dma source(%dma_start3A_55 : memref<1x32xf32, #tpu.memory_space<hbm>>) target(%dma_start3A_53 : memref<1x32xf32, #tpu.memory_space<vmem>>) target_semaphore(%arg11 : memref<!tpu.dma_semaphore, #tpu.memory_space<semaphore_mem>>)
      %slice3A_56 = vector.extract_strided_slice %get3A_29 {offsets = [2], sizes = [1], strides = [1]} : vector<16xi32> to vector<1xi32>
      %squeeze3A_57 = vector.extract %slice3A_56[0] : i32 from vector<1xi32>
      %mul3A_58 = arith.constant 16 : i32
      %mul3A_59 = arith.muli %scan3A_25, %mul3A_58 : i32
      %add3A_60 = arith.constant 2 : i32
      %add3A_61 = arith.addi %mul3A_59, %add3A_60 : i32
      %dma_start3A_62 = arith.constant 0 : i32
      %dma_start3A_63 = tpu.memref_slice %arg9[%add3A_61, %dma_start3A_62] : memref<512x32xf32, #tpu.memory_space<vmem>> -> memref<1x32xf32, #tpu.memory_space<vmem>>
      %dma_start3A_64 = arith.constant 0 : i32
      %dma_start3A_65 = tpu.memref_slice %arg4[%squeeze3A_57, %dma_start3A_64] : memref<100000x32xf32, #tpu.memory_space<hbm>> -> memref<1x32xf32, #tpu.memory_space<hbm>>
      %dma_start3A_66 = arith.constant 0 : i32
      %dma_start3A_67 = tpu.memref_slice %arg9[%add3A_61, %dma_start3A_66] : memref<512x32xf32, #tpu.memory_space<vmem>> -> memref<1x32xf32, #tpu.memory_space<vmem>>
      %dma_start3A_68 = arith.constant 0 : i32
      %dma_start3A_69 = tpu.memref_slice %arg4[%squeeze3A_57, %dma_start3A_68] : memref<100000x32xf32, #tpu.memory_space<hbm>> -> memref<1x32xf32, #tpu.memory_space<hbm>>
      tpu.enqueue_dma source(%dma_start3A_69 : memref<1x32xf32, #tpu.memory_space<hbm>>) target(%dma_start3A_67 : memref<1x32xf32, #tpu.memory_space<vmem>>) target_semaphore(%arg11 : memref<!tpu.dma_semaphore, #tpu.memory_space<semaphore_mem>>)
      %slice3A_70 = vector.extract_strided_slice %get3A_29 {offsets = [3], sizes = [1], strides = [1]} : vector<16xi32> to vector<1xi32>
      %squeeze3A_71 = vector.extract %slice3A_70[0] : i32 from vector<1xi32>
      %mul3A_72 = arith.constant 16 : i32
      %mul3A_73 = arith.muli %scan3A_25, %mul3A_72 : i32
      %add3A_74 = arith.constant 3 : i32
      %add3A_75 = arith.addi %mul3A_73, %add3A_74 : i32
      %dma_start3A_76 = arith.constant 0 : i32
      %dma_start3A_77 = tpu.memref_slice %arg9[%add3A_75, %dma_start3A_76] : memref<512x32xf32, #tpu.memory_space<vmem>> -> memref<1x32xf32, #tpu.memory_space<vmem>>
      %dma_start3A_78 = arith.constant 0 : i32
      %dma_start3A_79 = tpu.memref_slice %arg4[%squeeze3A_71, %dma_start3A_78] : memref<100000x32xf32, #tpu.memory_space<hbm>> -> memref<1x32xf32, #tpu.memory_space<hbm>>
      %dma_start3A_80 = arith.constant 0 : i32
      %dma_start3A_81 = tpu.memref_slice %arg9[%add3A_75, %dma_start3A_80] : memref<512x32xf32, #tpu.memory_space<vmem>> -> memref<1x32xf32, #tpu.memory_space<vmem>>
      %dma_start3A_82 = arith.constant 0 : i32
      %dma_start3A_83 = tpu.memref_slice %arg4[%squeeze3A_71, %dma_start3A_82] : memref<100000x32xf32, #tpu.memory_space<hbm>> -> memref<1x32xf32, #tpu.memory_space<hbm>>
      tpu.enqueue_dma source(%dma_start3A_83 : memref<1x32xf32, #tpu.memory_space<hbm>>) target(%dma_start3A_81 : memref<1x32xf32, #tpu.memory_space<vmem>>) target_semaphore(%arg11 : memref<!tpu.dma_semaphore, #tpu.memory_space<semaphore_mem>>)
      %slice3A_84 = vector.extract_strided_slice %get3A_29 {offsets = [4], sizes = [1], strides = [1]} : vector<16xi32> to vector<1xi32>
      %squeeze3A_85 = vector.extract %slice3A_84[0] : i32 from vector<1xi32>
      %mul3A_86 = arith.constant 16 : i32
      %mul3A_87 = arith.muli %scan3A_25, %mul3A_86 : i32
      %add3A_88 = arith.constant 4 : i32
      %add3A_89 = arith.addi %mul3A_87, %add3A_88 : i32
      %dma_start3A_90 = arith.constant 0 : i32
      %dma_start3A_91 = tpu.memref_slice %arg9[%add3A_89, %dma_start3A_90] : memref<512x32xf32, #tpu.memory_space<vmem>> -> memref<1x32xf32, #tpu.memory_space<vmem>>
      %dma_start3A_92 = arith.constant 0 : i32
      %dma_start3A_93 = tpu.memref_slice %arg4[%squeeze3A_85, %dma_start3A_92] : memref<100000x32xf32, #tpu.memory_space<hbm>> -> memref<1x32xf32, #tpu.memory_space<hbm>>
      %dma_start3A_94 = arith.constant 0 : i32
      %dma_start3A_95 = tpu.memref_slice %arg9[%add3A_89, %dma_start3A_94] : memref<512x32xf32, #tpu.memory_space<vmem>> -> memref<1x32xf32, #tpu.memory_space<vmem>>
      %dma_start3A_96 = arith.constant 0 : i32
      %dma_start3A_97 = tpu.memref_slice %arg4[%squeeze3A_85, %dma_start3A_96] : memref<100000x32xf32, #tpu.memory_space<hbm>> -> memref<1x32xf32, #tpu.memory_space<hbm>>
      tpu.enqueue_dma source(%dma_start3A_97 : memref<1x32xf32, #tpu.memory_space<hbm>>) target(%dma_start3A_95 : memref<1x32xf32, #tpu.memory_space<vmem>>) target_semaphore(%arg11 : memref<!tpu.dma_semaphore, #tpu.memory_space<semaphore_mem>>)
      %slice3A_98 = vector.extract_strided_slice %get3A_29 {offsets = [5], sizes = [1], strides = [1]} : vector<16xi32> to vector<1xi32>
      %squeeze3A_99 = vector.extract %slice3A_98[0] : i32 from vector<1xi32>
      %mul3A_100 = arith.constant 16 : i32
      %mul3A_101 = arith.muli %scan3A_25, %mul3A_100 : i32
      %add3A_102 = arith.constant 5 : i32
      %add3A_103 = arith.addi %mul3A_101, %add3A_102 : i32
      %dma_start3A_104 = arith.constant 0 : i32
      %dma_start3A_105 = tpu.memref_slice %arg9[%add3A_103, %dma_start3A_104] : memref<512x32xf32, #tpu.memory_space<vmem>> -> memref<1x32xf32, #tpu.memory_space<vmem>>
      %dma_start3A_106 = arith.constant 0 : i32
      %dma_start3A_107 = tpu.memref_slice %arg4[%squeeze3A_99, %dma_start3A_106] : memref<100000x32xf32, #tpu.memory_space<hbm>> -> memref<1x32xf32, #tpu.memory_space<hbm>>
      %dma_start3A_108 = arith.constant 0 : i32
      %dma_start3A_109 = tpu.memref_slice %arg9[%add3A_103, %dma_start3A_108] : memref<512x32xf32, #tpu.memory_space<vmem>> -> memref<1x32xf32, #tpu.memory_space<vmem>>
      %dma_start3A_110 = arith.constant 0 : i32
      %dma_start3A_111 = tpu.memref_slice %arg4[%squeeze3A_99, %dma_start3A_110] : memref<100000x32xf32, #tpu.memory_space<hbm>> -> memref<1x32xf32, #tpu.memory_space<hbm>>
      tpu.enqueue_dma source(%dma_start3A_111 : memref<1x32xf32, #tpu.memory_space<hbm>>) target(%dma_start3A_109 : memref<1x32xf32, #tpu.memory_space<vmem>>) target_semaphore(%arg11 : memref<!tpu.dma_semaphore, #tpu.memory_space<semaphore_mem>>)
      %slice3A_112 = vector.extract_strided_slice %get3A_29 {offsets = [6], sizes = [1], strides = [1]} : vector<16xi32> to vector<1xi32>
      %squeeze3A_113 = vector.extract %slice3A_112[0] : i32 from vector<1xi32>
      %mul3A_114 = arith.constant 16 : i32
      %mul3A_115 = arith.muli %scan3A_25, %mul3A_114 : i32
      %add3A_116 = arith.constant 6 : i32
      %add3A_117 = arith.addi %mul3A_115, %add3A_116 : i32
      %dma_start3A_118 = arith.constant 0 : i32
      %dma_start3A_119 = tpu.memref_slice %arg9[%add3A_117, %dma_start3A_118] : memref<512x32xf32, #tpu.memory_space<vmem>> -> memref<1x32xf32, #tpu.memory_space<vmem>>
      %dma_start3A_120 = arith.constant 0 : i32
      %dma_start3A_121 = tpu.memref_slice %arg4[%squeeze3A_113, %dma_start3A_120] : memref<100000x32xf32, #tpu.memory_space<hbm>> -> memref<1x32xf32, #tpu.memory_space<hbm>>
      %dma_start3A_122 = arith.constant 0 : i32
      %dma_start3A_123 = tpu.memref_slice %arg9[%add3A_117, %dma_start3A_122] : memref<512x32xf32, #tpu.memory_space<vmem>> -> memref<1x32xf32, #tpu.memory_space<vmem>>
      %dma_start3A_124 = arith.constant 0 : i32
      %dma_start3A_125 = tpu.memref_slice %arg4[%squeeze3A_113, %dma_start3A_124] : memref<100000x32xf32, #tpu.memory_space<hbm>> -> memref<1x32xf32, #tpu.memory_space<hbm>>
      tpu.enqueue_dma source(%dma_start3A_125 : memref<1x32xf32, #tpu.memory_space<hbm>>) target(%dma_start3A_123 : memref<1x32xf32, #tpu.memory_space<vmem>>) target_semaphore(%arg11 : memref<!tpu.dma_semaphore, #tpu.memory_space<semaphore_mem>>)
      %slice3A_126 = vector.extract_strided_slice %get3A_29 {offsets = [7], sizes = [1], strides = [1]} : vector<16xi32> to vector<1xi32>
      %squeeze3A_127 = vector.extract %slice3A_126[0] : i32 from vector<1xi32>
      %mul3A_128 = arith.constant 16 : i32
      %mul3A_129 = arith.muli %scan3A_25, %mul3A_128 : i32
      %add3A_130 = arith.constant 7 : i32
      %add3A_131 = arith.addi %mul3A_129, %add3A_130 : i32
      %dma_start3A_132 = arith.constant 0 : i32
      %dma_start3A_133 = tpu.memref_slice %arg9[%add3A_131, %dma_start3A_132] : memref<512x32xf32, #tpu.memory_space<vmem>> -> memref<1x32xf32, #tpu.memory_space<vmem>>
      %dma_start3A_134 = arith.constant 0 : i32
      %dma_start3A_135 = tpu.memref_slice %arg4[%squeeze3A_127, %dma_start3A_134] : memref<100000x32xf32, #tpu.memory_space<hbm>> -> memref<1x32xf32, #tpu.memory_space<hbm>>
      %dma_start3A_136 = arith.constant 0 : i32
      %dma_start3A_137 = tpu.memref_slice %arg9[%add3A_131, %dma_start3A_136] : memref<512x32xf32, #tpu.memory_space<vmem>> -> memref<1x32xf32, #tpu.memory_space<vmem>>
      %dma_start3A_138 = arith.constant 0 : i32
      %dma_start3A_139 = tpu.memref_slice %arg4[%squeeze3A_127, %dma_start3A_138] : memref<100000x32xf32, #tpu.memory_space<hbm>> -> memref<1x32xf32, #tpu.memory_space<hbm>>
      tpu.enqueue_dma source(%dma_start3A_139 : memref<1x32xf32, #tpu.memory_space<hbm>>) target(%dma_start3A_137 : memref<1x32xf32, #tpu.memory_space<vmem>>) target_semaphore(%arg11 : memref<!tpu.dma_semaphore, #tpu.memory_space<semaphore_mem>>)
      %slice3A_140 = vector.extract_strided_slice %get3A_29 {offsets = [8], sizes = [1], strides = [1]} : vector<16xi32> to vector<1xi32>
      %squeeze3A_141 = vector.extract %slice3A_140[0] : i32 from vector<1xi32>
      %mul3A_142 = arith.constant 16 : i32
      %mul3A_143 = arith.muli %scan3A_25, %mul3A_142 : i32
      %add3A_144 = arith.constant 8 : i32
      %add3A_145 = arith.addi %mul3A_143, %add3A_144 : i32
      %dma_start3A_146 = arith.constant 0 : i32
      %dma_start3A_147 = tpu.memref_slice %arg9[%add3A_145, %dma_start3A_146] : memref<512x32xf32, #tpu.memory_space<vmem>> -> memref<1x32xf32, #tpu.memory_space<vmem>>
      %dma_start3A_148 = arith.constant 0 : i32
      %dma_start3A_149 = tpu.memref_slice %arg4[%squeeze3A_141, %dma_start3A_148] : memref<100000x32xf32, #tpu.memory_space<hbm>> -> memref<1x32xf32, #tpu.memory_space<hbm>>
      %dma_start3A_150 = arith.constant 0 : i32
      %dma_start3A_151 = tpu.memref_slice %arg9[%add3A_145, %dma_start3A_150] : memref<512x32xf32, #tpu.memory_space<vmem>> -> memref<1x32xf32, #tpu.memory_space<vmem>>
      %dma_start3A_152 = arith.constant 0 : i32
      %dma_start3A_153 = tpu.memref_slice %arg4[%squeeze3A_141, %dma_start3A_152] : memref<100000x32xf32, #tpu.memory_space<hbm>> -> memref<1x32xf32, #tpu.memory_space<hbm>>
      tpu.enqueue_dma source(%dma_start3A_153 : memref<1x32xf32, #tpu.memory_space<hbm>>) target(%dma_start3A_151 : memref<1x32xf32, #tpu.memory_space<vmem>>) target_semaphore(%arg11 : memref<!tpu.dma_semaphore, #tpu.memory_space<semaphore_mem>>)
      %slice3A_154 = vector.extract_strided_slice %get3A_29 {offsets = [9], sizes = [1], strides = [1]} : vector<16xi32> to vector<1xi32>
      %squeeze3A_155 = vector.extract %slice3A_154[0] : i32 from vector<1xi32>
      %mul3A_156 = arith.constant 16 : i32
      %mul3A_157 = arith.muli %scan3A_25, %mul3A_156 : i32
      %add3A_158 = arith.constant 9 : i32
      %add3A_159 = arith.addi %mul3A_157, %add3A_158 : i32
      %dma_start3A_160 = arith.constant 0 : i32
      %dma_start3A_161 = tpu.memref_slice %arg9[%add3A_159, %dma_start3A_160] : memref<512x32xf32, #tpu.memory_space<vmem>> -> memref<1x32xf32, #tpu.memory_space<vmem>>
      %dma_start3A_162 = arith.constant 0 : i32
      %dma_start3A_163 = tpu.memref_slice %arg4[%squeeze3A_155, %dma_start3A_162] : memref<100000x32xf32, #tpu.memory_space<hbm>> -> memref<1x32xf32, #tpu.memory_space<hbm>>
      %dma_start3A_164 = arith.constant 0 : i32
      %dma_start3A_165 = tpu.memref_slice %arg9[%add3A_159, %dma_start3A_164] : memref<512x32xf32, #tpu.memory_space<vmem>> -> memref<1x32xf32, #tpu.memory_space<vmem>>
      %dma_start3A_166 = arith.constant 0 : i32
      %dma_start3A_167 = tpu.memref_slice %arg4[%squeeze3A_155, %dma_start3A_166] : memref<100000x32xf32, #tpu.memory_space<hbm>> -> memref<1x32xf32, #tpu.memory_space<hbm>>
      tpu.enqueue_dma source(%dma_start3A_167 : memref<1x32xf32, #tpu.memory_space<hbm>>) target(%dma_start3A_165 : memref<1x32xf32, #tpu.memory_space<vmem>>) target_semaphore(%arg11 : memref<!tpu.dma_semaphore, #tpu.memory_space<semaphore_mem>>)
      %slice3A_168 = vector.extract_strided_slice %get3A_29 {offsets = [10], sizes = [1], strides = [1]} : vector<16xi32> to vector<1xi32>
      %squeeze3A_169 = vector.extract %slice3A_168[0] : i32 from vector<1xi32>
      %mul3A_170 = arith.constant 16 : i32
      %mul3A_171 = arith.muli %scan3A_25, %mul3A_170 : i32
      %add3A_172 = arith.constant 10 : i32
      %add3A_173 = arith.addi %mul3A_171, %add3A_172 : i32
      %dma_start3A_174 = arith.constant 0 : i32
      %dma_start3A_175 = tpu.memref_slice %arg9[%add3A_173, %dma_start3A_174] : memref<512x32xf32, #tpu.memory_space<vmem>> -> memref<1x32xf32, #tpu.memory_space<vmem>>
      %dma_start3A_176 = arith.constant 0 : i32
      %dma_start3A_177 = tpu.memref_slice %arg4[%squeeze3A_169, %dma_start3A_176] : memref<100000x32xf32, #tpu.memory_space<hbm>> -> memref<1x32xf32, #tpu.memory_space<hbm>>
      %dma_start3A_178 = arith.constant 0 : i32
      %dma_start3A_179 = tpu.memref_slice %arg9[%add3A_173, %dma_start3A_178] : memref<512x32xf32, #tpu.memory_space<vmem>> -> memref<1x32xf32, #tpu.memory_space<vmem>>
      %dma_start3A_180 = arith.constant 0 : i32
      %dma_start3A_181 = tpu.memref_slice %arg4[%squeeze3A_169, %dma_start3A_180] : memref<100000x32xf32, #tpu.memory_space<hbm>> -> memref<1x32xf32, #tpu.memory_space<hbm>>
      tpu.enqueue_dma source(%dma_start3A_181 : memref<1x32xf32, #tpu.memory_space<hbm>>) target(%dma_start3A_179 : memref<1x32xf32, #tpu.memory_space<vmem>>) target_semaphore(%arg11 : memref<!tpu.dma_semaphore, #tpu.memory_space<semaphore_mem>>)
      %slice3A_182 = vector.extract_strided_slice %get3A_29 {offsets = [11], sizes = [1], strides = [1]} : vector<16xi32> to vector<1xi32>
      %squeeze3A_183 = vector.extract %slice3A_182[0] : i32 from vector<1xi32>
      %mul3A_184 = arith.constant 16 : i32
      %mul3A_185 = arith.muli %scan3A_25, %mul3A_184 : i32
      %add3A_186 = arith.constant 11 : i32
      %add3A_187 = arith.addi %mul3A_185, %add3A_186 : i32
      %dma_start3A_188 = arith.constant 0 : i32
      %dma_start3A_189 = tpu.memref_slice %arg9[%add3A_187, %dma_start3A_188] : memref<512x32xf32, #tpu.memory_space<vmem>> -> memref<1x32xf32, #tpu.memory_space<vmem>>
      %dma_start3A_190 = arith.constant 0 : i32
      %dma_start3A_191 = tpu.memref_slice %arg4[%squeeze3A_183, %dma_start3A_190] : memref<100000x32xf32, #tpu.memory_space<hbm>> -> memref<1x32xf32, #tpu.memory_space<hbm>>
      %dma_start3A_192 = arith.constant 0 : i32
      %dma_start3A_193 = tpu.memref_slice %arg9[%add3A_187, %dma_start3A_192] : memref<512x32xf32, #tpu.memory_space<vmem>> -> memref<1x32xf32, #tpu.memory_space<vmem>>
      %dma_start3A_194 = arith.constant 0 : i32
      %dma_start3A_195 = tpu.memref_slice %arg4[%squeeze3A_183, %dma_start3A_194] : memref<100000x32xf32, #tpu.memory_space<hbm>> -> memref<1x32xf32, #tpu.memory_space<hbm>>
      tpu.enqueue_dma source(%dma_start3A_195 : memref<1x32xf32, #tpu.memory_space<hbm>>) target(%dma_start3A_193 : memref<1x32xf32, #tpu.memory_space<vmem>>) target_semaphore(%arg11 : memref<!tpu.dma_semaphore, #tpu.memory_space<semaphore_mem>>)
      %slice3A_196 = vector.extract_strided_slice %get3A_29 {offsets = [12], sizes = [1], strides = [1]} : vector<16xi32> to vector<1xi32>
      %squeeze3A_197 = vector.extract %slice3A_196[0] : i32 from vector<1xi32>
      %mul3A_198 = arith.constant 16 : i32
      %mul3A_199 = arith.muli %scan3A_25, %mul3A_198 : i32
      %add3A_200 = arith.constant 12 : i32
      %add3A_201 = arith.addi %mul3A_199, %add3A_200 : i32
      %dma_start3A_202 = arith.constant 0 : i32
      %dma_start3A_203 = tpu.memref_slice %arg9[%add3A_201, %dma_start3A_202] : memref<512x32xf32, #tpu.memory_space<vmem>> -> memref<1x32xf32, #tpu.memory_space<vmem>>
      %dma_start3A_204 = arith.constant 0 : i32
      %dma_start3A_205 = tpu.memref_slice %arg4[%squeeze3A_197, %dma_start3A_204] : memref<100000x32xf32, #tpu.memory_space<hbm>> -> memref<1x32xf32, #tpu.memory_space<hbm>>
      %dma_start3A_206 = arith.constant 0 : i32
      %dma_start3A_207 = tpu.memref_slice %arg9[%add3A_201, %dma_start3A_206] : memref<512x32xf32, #tpu.memory_space<vmem>> -> memref<1x32xf32, #tpu.memory_space<vmem>>
      %dma_start3A_208 = arith.constant 0 : i32
      %dma_start3A_209 = tpu.memref_slice %arg4[%squeeze3A_197, %dma_start3A_208] : memref<100000x32xf32, #tpu.memory_space<hbm>> -> memref<1x32xf32, #tpu.memory_space<hbm>>
      tpu.enqueue_dma source(%dma_start3A_209 : memref<1x32xf32, #tpu.memory_space<hbm>>) target(%dma_start3A_207 : memref<1x32xf32, #tpu.memory_space<vmem>>) target_semaphore(%arg11 : memref<!tpu.dma_semaphore, #tpu.memory_space<semaphore_mem>>)
      %slice3A_210 = vector.extract_strided_slice %get3A_29 {offsets = [13], sizes = [1], strides = [1]} : vector<16xi32> to vector<1xi32>
      %squeeze3A_211 = vector.extract %slice3A_210[0] : i32 from vector<1xi32>
      %mul3A_212 = arith.constant 16 : i32
      %mul3A_213 = arith.muli %scan3A_25, %mul3A_212 : i32
      %add3A_214 = arith.constant 13 : i32
      %add3A_215 = arith.addi %mul3A_213, %add3A_214 : i32
      %dma_start3A_216 = arith.constant 0 : i32
      %dma_start3A_217 = tpu.memref_slice %arg9[%add3A_215, %dma_start3A_216] : memref<512x32xf32, #tpu.memory_space<vmem>> -> memref<1x32xf32, #tpu.memory_space<vmem>>
      %dma_start3A_218 = arith.constant 0 : i32
      %dma_start3A_219 = tpu.memref_slice %arg4[%squeeze3A_211, %dma_start3A_218] : memref<100000x32xf32, #tpu.memory_space<hbm>> -> memref<1x32xf32, #tpu.memory_space<hbm>>
      %dma_start3A_220 = arith.constant 0 : i32
      %dma_start3A_221 = tpu.memref_slice %arg9[%add3A_215, %dma_start3A_220] : memref<512x32xf32, #tpu.memory_space<vmem>> -> memref<1x32xf32, #tpu.memory_space<vmem>>
      %dma_start3A_222 = arith.constant 0 : i32
      %dma_start3A_223 = tpu.memref_slice %arg4[%squeeze3A_211, %dma_start3A_222] : memref<100000x32xf32, #tpu.memory_space<hbm>> -> memref<1x32xf32, #tpu.memory_space<hbm>>
      tpu.enqueue_dma source(%dma_start3A_223 : memref<1x32xf32, #tpu.memory_space<hbm>>) target(%dma_start3A_221 : memref<1x32xf32, #tpu.memory_space<vmem>>) target_semaphore(%arg11 : memref<!tpu.dma_semaphore, #tpu.memory_space<semaphore_mem>>)
      %slice3A_224 = vector.extract_strided_slice %get3A_29 {offsets = [14], sizes = [1], strides = [1]} : vector<16xi32> to vector<1xi32>
      %squeeze3A_225 = vector.extract %slice3A_224[0] : i32 from vector<1xi32>
      %mul3A_226 = arith.constant 16 : i32
      %mul3A_227 = arith.muli %scan3A_25, %mul3A_226 : i32
      %add3A_228 = arith.constant 14 : i32
      %add3A_229 = arith.addi %mul3A_227, %add3A_228 : i32
      %dma_start3A_230 = arith.constant 0 : i32
      %dma_start3A_231 = tpu.memref_slice %arg9[%add3A_229, %dma_start3A_230] : memref<512x32xf32, #tpu.memory_space<vmem>> -> memref<1x32xf32, #tpu.memory_space<vmem>>
      %dma_start3A_232 = arith.constant 0 : i32
      %dma_start3A_233 = tpu.memref_slice %arg4[%squeeze3A_225, %dma_start3A_232] : memref<100000x32xf32, #tpu.memory_space<hbm>> -> memref<1x32xf32, #tpu.memory_space<hbm>>
      %dma_start3A_234 = arith.constant 0 : i32
      %dma_start3A_235 = tpu.memref_slice %arg9[%add3A_229, %dma_start3A_234] : memref<512x32xf32, #tpu.memory_space<vmem>> -> memref<1x32xf32, #tpu.memory_space<vmem>>
      %dma_start3A_236 = arith.constant 0 : i32
      %dma_start3A_237 = tpu.memref_slice %arg4[%squeeze3A_225, %dma_start3A_236] : memref<100000x32xf32, #tpu.memory_space<hbm>> -> memref<1x32xf32, #tpu.memory_space<hbm>>
      tpu.enqueue_dma source(%dma_start3A_237 : memref<1x32xf32, #tpu.memory_space<hbm>>) target(%dma_start3A_235 : memref<1x32xf32, #tpu.memory_space<vmem>>) target_semaphore(%arg11 : memref<!tpu.dma_semaphore, #tpu.memory_space<semaphore_mem>>)
      %slice3A_238 = vector.extract_strided_slice %get3A_29 {offsets = [15], sizes = [1], strides = [1]} : vector<16xi32> to vector<1xi32>
      %squeeze3A_239 = vector.extract %slice3A_238[0] : i32 from vector<1xi32>
      %mul3A_240 = arith.constant 16 : i32
      %mul3A_241 = arith.muli %scan3A_25, %mul3A_240 : i32
      %add3A_242 = arith.constant 15 : i32
      %add3A_243 = arith.addi %mul3A_241, %add3A_242 : i32
      %dma_start3A_244 = arith.constant 0 : i32
      %dma_start3A_245 = tpu.memref_slice %arg9[%add3A_243, %dma_start3A_244] : memref<512x32xf32, #tpu.memory_space<vmem>> -> memref<1x32xf32, #tpu.memory_space<vmem>>
      %dma_start3A_246 = arith.constant 0 : i32
      %dma_start3A_247 = tpu.memref_slice %arg4[%squeeze3A_239, %dma_start3A_246] : memref<100000x32xf32, #tpu.memory_space<hbm>> -> memref<1x32xf32, #tpu.memory_space<hbm>>
      %dma_start3A_248 = arith.constant 0 : i32
      %dma_start3A_249 = tpu.memref_slice %arg9[%add3A_243, %dma_start3A_248] : memref<512x32xf32, #tpu.memory_space<vmem>> -> memref<1x32xf32, #tpu.memory_space<vmem>>
      %dma_start3A_250 = arith.constant 0 : i32
      %dma_start3A_251 = tpu.memref_slice %arg4[%squeeze3A_239, %dma_start3A_250] : memref<100000x32xf32, #tpu.memory_space<hbm>> -> memref<1x32xf32, #tpu.memory_space<hbm>>
      tpu.enqueue_dma source(%dma_start3A_251 : memref<1x32xf32, #tpu.memory_space<hbm>>) target(%dma_start3A_249 : memref<1x32xf32, #tpu.memory_space<vmem>>) target_semaphore(%arg11 : memref<!tpu.dma_semaphore, #tpu.memory_space<semaphore_mem>>)
    }
    %scan3A_8 = arith.constant 32 : i32
    %scan3A_9 = arith.constant 0 : i32
    %scan3A_10 = arith.constant 512 : i32
    %scan3A_11 = arith.addi %scan3A_9, %scan3A_10 : i32
    %scan3A_12 = arith.constant 8 : i32
    scf.for %scan3A_25 = %scan3A_9 to %scan3A_11 step %scan3A_12  : i32 {
      %dma_wait3A_26 = arith.constant 0 : i32
      %dma_wait3A_27 = tpu.memref_slice %arg9[%scan3A_25, %dma_wait3A_26] : memref<512x32xf32, #tpu.memory_space<vmem>> -> memref<1x32xf32, #tpu.memory_space<vmem>>
      %dma_wait3A_28 = arith.constant 0 : i32
      %dma_wait3A_29 = arith.constant 0 : i32
      %dma_wait3A_30 = tpu.memref_slice %arg4[%dma_wait3A_28, %dma_wait3A_29] : memref<100000x32xf32, #tpu.memory_space<hbm>> -> memref<1x32xf32, #tpu.memory_space<hbm>>
      %dma_wait3A_31 = arith.constant 0 : i32
      %dma_wait3A_32 = tpu.memref_slice %arg9[%scan3A_25, %dma_wait3A_31] : memref<512x32xf32, #tpu.memory_space<vmem>> -> memref<1x32xf32, #tpu.memory_space<vmem>>
      %dma_wait3A_33 = arith.constant 0 : i32
      %dma_wait3A_34 = arith.constant 0 : i32
      %dma_wait3A_35 = tpu.memref_slice %arg4[%dma_wait3A_33, %dma_wait3A_34] : memref<100000x32xf32, #tpu.memory_space<hbm>> -> memref<1x32xf32, #tpu.memory_space<hbm>>
      tpu.wait_dma2 semaphore(%arg11 : memref<!tpu.dma_semaphore, #tpu.memory_space<semaphore_mem>>) src(%dma_wait3A_35 : memref<1x32xf32, #tpu.memory_space<hbm>>) dst(%dma_wait3A_32 : memref<1x32xf32, #tpu.memory_space<vmem>>)
      %scan3A_36 = arith.constant 1 : i32
      %scan3A_37 = arith.addi %scan3A_25, %scan3A_36 : i32
      %dma_wait3A_38 = arith.constant 0 : i32
      %dma_wait3A_39 = tpu.memref_slice %arg9[%scan3A_37, %dma_wait3A_38] : memref<512x32xf32, #tpu.memory_space<vmem>> -> memref<1x32xf32, #tpu.memory_space<vmem>>
      %dma_wait3A_40 = arith.constant 0 : i32
      %dma_wait3A_41 = arith.constant 0 : i32
      %dma_wait3A_42 = tpu.memref_slice %arg4[%dma_wait3A_40, %dma_wait3A_41] : memref<100000x32xf32, #tpu.memory_space<hbm>> -> memref<1x32xf32, #tpu.memory_space<hbm>>
      %dma_wait3A_43 = arith.constant 0 : i32
      %dma_wait3A_44 = tpu.memref_slice %arg9[%scan3A_37, %dma_wait3A_43] : memref<512x32xf32, #tpu.memory_space<vmem>> -> memref<1x32xf32, #tpu.memory_space<vmem>>
      %dma_wait3A_45 = arith.constant 0 : i32
      %dma_wait3A_46 = arith.constant 0 : i32
      %dma_wait3A_47 = tpu.memref_slice %arg4[%dma_wait3A_45, %dma_wait3A_46] : memref<100000x32xf32, #tpu.memory_space<hbm>> -> memref<1x32xf32, #tpu.memory_space<hbm>>
      tpu.wait_dma2 semaphore(%arg11 : memref<!tpu.dma_semaphore, #tpu.memory_space<semaphore_mem>>) src(%dma_wait3A_47 : memref<1x32xf32, #tpu.memory_space<hbm>>) dst(%dma_wait3A_44 : memref<1x32xf32, #tpu.memory_space<vmem>>)
      %scan3A_48 = arith.constant 2 : i32
      %scan3A_49 = arith.addi %scan3A_25, %scan3A_48 : i32
      %dma_wait3A_50 = arith.constant 0 : i32
      %dma_wait3A_51 = tpu.memref_slice %arg9[%scan3A_49, %dma_wait3A_50] : memref<512x32xf32, #tpu.memory_space<vmem>> -> memref<1x32xf32, #tpu.memory_space<vmem>>
      %dma_wait3A_52 = arith.constant 0 : i32
      %dma_wait3A_53 = arith.constant 0 : i32
      %dma_wait3A_54 = tpu.memref_slice %arg4[%dma_wait3A_52, %dma_wait3A_53] : memref<100000x32xf32, #tpu.memory_space<hbm>> -> memref<1x32xf32, #tpu.memory_space<hbm>>
      %dma_wait3A_55 = arith.constant 0 : i32
      %dma_wait3A_56 = tpu.memref_slice %arg9[%scan3A_49, %dma_wait3A_55] : memref<512x32xf32, #tpu.memory_space<vmem>> -> memref<1x32xf32, #tpu.memory_space<vmem>>
      %dma_wait3A_57 = arith.constant 0 : i32
      %dma_wait3A_58 = arith.constant 0 : i32
      %dma_wait3A_59 = tpu.memref_slice %arg4[%dma_wait3A_57, %dma_wait3A_58] : memref<100000x32xf32, #tpu.memory_space<hbm>> -> memref<1x32xf32, #tpu.memory_space<hbm>>
      tpu.wait_dma2 semaphore(%arg11 : memref<!tpu.dma_semaphore, #tpu.memory_space<semaphore_mem>>) src(%dma_wait3A_59 : memref<1x32xf32, #tpu.memory_space<hbm>>) dst(%dma_wait3A_56 : memref<1x32xf32, #tpu.memory_space<vmem>>)
      %scan3A_60 = arith.constant 3 : i32
      %scan3A_61 = arith.addi %scan3A_25, %scan3A_60 : i32
      %dma_wait3A_62 = arith.constant 0 : i32
      %dma_wait3A_63 = tpu.memref_slice %arg9[%scan3A_61, %dma_wait3A_62] : memref<512x32xf32, #tpu.memory_space<vmem>> -> memref<1x32xf32, #tpu.memory_space<vmem>>
      %dma_wait3A_64 = arith.constant 0 : i32
      %dma_wait3A_65 = arith.constant 0 : i32
      %dma_wait3A_66 = tpu.memref_slice %arg4[%dma_wait3A_64, %dma_wait3A_65] : memref<100000x32xf32, #tpu.memory_space<hbm>> -> memref<1x32xf32, #tpu.memory_space<hbm>>
      %dma_wait3A_67 = arith.constant 0 : i32
      %dma_wait3A_68 = tpu.memref_slice %arg9[%scan3A_61, %dma_wait3A_67] : memref<512x32xf32, #tpu.memory_space<vmem>> -> memref<1x32xf32, #tpu.memory_space<vmem>>
      %dma_wait3A_69 = arith.constant 0 : i32
      %dma_wait3A_70 = arith.constant 0 : i32
      %dma_wait3A_71 = tpu.memref_slice %arg4[%dma_wait3A_69, %dma_wait3A_70] : memref<100000x32xf32, #tpu.memory_space<hbm>> -> memref<1x32xf32, #tpu.memory_space<hbm>>
      tpu.wait_dma2 semaphore(%arg11 : memref<!tpu.dma_semaphore, #tpu.memory_space<semaphore_mem>>) src(%dma_wait3A_71 : memref<1x32xf32, #tpu.memory_space<hbm>>) dst(%dma_wait3A_68 : memref<1x32xf32, #tpu.memory_space<vmem>>)
      %scan3A_72 = arith.constant 4 : i32
      %scan3A_73 = arith.addi %scan3A_25, %scan3A_72 : i32
      %dma_wait3A_74 = arith.constant 0 : i32
      %dma_wait3A_75 = tpu.memref_slice %arg9[%scan3A_73, %dma_wait3A_74] : memref<512x32xf32, #tpu.memory_space<vmem>> -> memref<1x32xf32, #tpu.memory_space<vmem>>
      %dma_wait3A_76 = arith.constant 0 : i32
      %dma_wait3A_77 = arith.constant 0 : i32
      %dma_wait3A_78 = tpu.memref_slice %arg4[%dma_wait3A_76, %dma_wait3A_77] : memref<100000x32xf32, #tpu.memory_space<hbm>> -> memref<1x32xf32, #tpu.memory_space<hbm>>
      %dma_wait3A_79 = arith.constant 0 : i32
      %dma_wait3A_80 = tpu.memref_slice %arg9[%scan3A_73, %dma_wait3A_79] : memref<512x32xf32, #tpu.memory_space<vmem>> -> memref<1x32xf32, #tpu.memory_space<vmem>>
      %dma_wait3A_81 = arith.constant 0 : i32
      %dma_wait3A_82 = arith.constant 0 : i32
      %dma_wait3A_83 = tpu.memref_slice %arg4[%dma_wait3A_81, %dma_wait3A_82] : memref<100000x32xf32, #tpu.memory_space<hbm>> -> memref<1x32xf32, #tpu.memory_space<hbm>>
      tpu.wait_dma2 semaphore(%arg11 : memref<!tpu.dma_semaphore, #tpu.memory_space<semaphore_mem>>) src(%dma_wait3A_83 : memref<1x32xf32, #tpu.memory_space<hbm>>) dst(%dma_wait3A_80 : memref<1x32xf32, #tpu.memory_space<vmem>>)
      %scan3A_84 = arith.constant 5 : i32
      %scan3A_85 = arith.addi %scan3A_25, %scan3A_84 : i32
      %dma_wait3A_86 = arith.constant 0 : i32
      %dma_wait3A_87 = tpu.memref_slice %arg9[%scan3A_85, %dma_wait3A_86] : memref<512x32xf32, #tpu.memory_space<vmem>> -> memref<1x32xf32, #tpu.memory_space<vmem>>
      %dma_wait3A_88 = arith.constant 0 : i32
      %dma_wait3A_89 = arith.constant 0 : i32
      %dma_wait3A_90 = tpu.memref_slice %arg4[%dma_wait3A_88, %dma_wait3A_89] : memref<100000x32xf32, #tpu.memory_space<hbm>> -> memref<1x32xf32, #tpu.memory_space<hbm>>
      %dma_wait3A_91 = arith.constant 0 : i32
      %dma_wait3A_92 = tpu.memref_slice %arg9[%scan3A_85, %dma_wait3A_91] : memref<512x32xf32, #tpu.memory_space<vmem>> -> memref<1x32xf32, #tpu.memory_space<vmem>>
      %dma_wait3A_93 = arith.constant 0 : i32
      %dma_wait3A_94 = arith.constant 0 : i32
      %dma_wait3A_95 = tpu.memref_slice %arg4[%dma_wait3A_93, %dma_wait3A_94] : memref<100000x32xf32, #tpu.memory_space<hbm>> -> memref<1x32xf32, #tpu.memory_space<hbm>>
      tpu.wait_dma2 semaphore(%arg11 : memref<!tpu.dma_semaphore, #tpu.memory_space<semaphore_mem>>) src(%dma_wait3A_95 : memref<1x32xf32, #tpu.memory_space<hbm>>) dst(%dma_wait3A_92 : memref<1x32xf32, #tpu.memory_space<vmem>>)
      %scan3A_96 = arith.constant 6 : i32
      %scan3A_97 = arith.addi %scan3A_25, %scan3A_96 : i32
      %dma_wait3A_98 = arith.constant 0 : i32
      %dma_wait3A_99 = tpu.memref_slice %arg9[%scan3A_97, %dma_wait3A_98] : memref<512x32xf32, #tpu.memory_space<vmem>> -> memref<1x32xf32, #tpu.memory_space<vmem>>
      %dma_wait3A_100 = arith.constant 0 : i32
      %dma_wait3A_101 = arith.constant 0 : i32
      %dma_wait3A_102 = tpu.memref_slice %arg4[%dma_wait3A_100, %dma_wait3A_101] : memref<100000x32xf32, #tpu.memory_space<hbm>> -> memref<1x32xf32, #tpu.memory_space<hbm>>
      %dma_wait3A_103 = arith.constant 0 : i32
      %dma_wait3A_104 = tpu.memref_slice %arg9[%scan3A_97, %dma_wait3A_103] : memref<512x32xf32, #tpu.memory_space<vmem>> -> memref<1x32xf32, #tpu.memory_space<vmem>>
      %dma_wait3A_105 = arith.constant 0 : i32
      %dma_wait3A_106 = arith.constant 0 : i32
      %dma_wait3A_107 = tpu.memref_slice %arg4[%dma_wait3A_105, %dma_wait3A_106] : memref<100000x32xf32, #tpu.memory_space<hbm>> -> memref<1x32xf32, #tpu.memory_space<hbm>>
      tpu.wait_dma2 semaphore(%arg11 : memref<!tpu.dma_semaphore, #tpu.memory_space<semaphore_mem>>) src(%dma_wait3A_107 : memref<1x32xf32, #tpu.memory_space<hbm>>) dst(%dma_wait3A_104 : memref<1x32xf32, #tpu.memory_space<vmem>>)
      %scan3A_108 = arith.constant 7 : i32
      %scan3A_109 = arith.addi %scan3A_25, %scan3A_108 : i32
      %dma_wait3A_110 = arith.constant 0 : i32
      %dma_wait3A_111 = tpu.memref_slice %arg9[%scan3A_109, %dma_wait3A_110] : memref<512x32xf32, #tpu.memory_space<vmem>> -> memref<1x32xf32, #tpu.memory_space<vmem>>
      %dma_wait3A_112 = arith.constant 0 : i32
      %dma_wait3A_113 = arith.constant 0 : i32
      %dma_wait3A_114 = tpu.memref_slice %arg4[%dma_wait3A_112, %dma_wait3A_113] : memref<100000x32xf32, #tpu.memory_space<hbm>> -> memref<1x32xf32, #tpu.memory_space<hbm>>
      %dma_wait3A_115 = arith.constant 0 : i32
      %dma_wait3A_116 = tpu.memref_slice %arg9[%scan3A_109, %dma_wait3A_115] : memref<512x32xf32, #tpu.memory_space<vmem>> -> memref<1x32xf32, #tpu.memory_space<vmem>>
      %dma_wait3A_117 = arith.constant 0 : i32
      %dma_wait3A_118 = arith.constant 0 : i32
      %dma_wait3A_119 = tpu.memref_slice %arg4[%dma_wait3A_117, %dma_wait3A_118] : memref<100000x32xf32, #tpu.memory_space<hbm>> -> memref<1x32xf32, #tpu.memory_space<hbm>>
      tpu.wait_dma2 semaphore(%arg11 : memref<!tpu.dma_semaphore, #tpu.memory_space<semaphore_mem>>) src(%dma_wait3A_119 : memref<1x32xf32, #tpu.memory_space<hbm>>) dst(%dma_wait3A_116 : memref<1x32xf32, #tpu.memory_space<vmem>>)
    }
    %scan3A_13 = arith.constant 512 : i32
    %dma_start3A = arith.constant 0 : i32
    %dma_start3A_14 = tpu.memref_slice %arg5[%mul3A_2, %dma_start3A] : memref<16384x32xf32, #tpu.memory_space<hbm>> -> memref<512x32xf32, #tpu.memory_space<hbm>>
    %dma_start3A_15 = arith.constant 0 : i32
    %dma_start3A_16 = tpu.memref_slice %arg5[%mul3A_2, %dma_start3A_15] : memref<16384x32xf32, #tpu.memory_space<hbm>> -> memref<512x32xf32, #tpu.memory_space<hbm>>
    tpu.enqueue_dma source(%arg9 : memref<512x32xf32, #tpu.memory_space<vmem>>) target(%dma_start3A_16 : memref<512x32xf32, #tpu.memory_space<hbm>>) target_semaphore(%arg13 : memref<!tpu.dma_semaphore, #tpu.memory_space<semaphore_mem>>)
    %dma_wait3A = arith.constant 0 : i32
    %dma_wait3A_17 = tpu.memref_slice %arg5[%mul3A_2, %dma_wait3A] : memref<16384x32xf32, #tpu.memory_space<hbm>> -> memref<512x32xf32, #tpu.memory_space<hbm>>
    %dma_wait3A_18 = arith.constant 0 : i32
    %dma_wait3A_19 = tpu.memref_slice %arg5[%mul3A_2, %dma_wait3A_18] : memref<16384x32xf32, #tpu.memory_space<hbm>> -> memref<512x32xf32, #tpu.memory_space<hbm>>
    tpu.wait_dma2 semaphore(%arg13 : memref<!tpu.dma_semaphore, #tpu.memory_space<semaphore_mem>>) src(%arg9 : memref<512x32xf32, #tpu.memory_space<vmem>>) dst(%dma_wait3A_19 : memref<512x32xf32, #tpu.memory_space<hbm>>)
    %eq3A_20 = arith.constant 0 : i32
    %eq3A_21 = arith.cmpi eq, %add3A, %eq3A_20 : i32
    %convert_element_type3A_22 = arith.extui %eq3A_21 : i1 to i32
    %cond3A_23 = arith.constant 0 : i32
    %cond3A_24 = arith.cmpi ne, %convert_element_type3A_22, %cond3A_23 : i32
    scf.if %cond3A_24 {
      %dma_wait3A_25 = arith.constant 0 : i32
      %dma_wait3A_26 = arith.constant 0 : i32
      %dma_wait3A_27 = tpu.memref_slice %arg4[%dma_wait3A_25, %dma_wait3A_26] : memref<100000x32xf32, #tpu.memory_space<hbm>> -> memref<1x32xf32, #tpu.memory_space<hbm>>
      %dma_wait3A_28 = arith.constant 0 : i32
      %dma_wait3A_29 = arith.constant 0 : i32
      %dma_wait3A_30 = tpu.memref_slice %arg4[%dma_wait3A_28, %dma_wait3A_29] : memref<100000x32xf32, #tpu.memory_space<hbm>> -> memref<1x32xf32, #tpu.memory_space<hbm>>
      tpu.wait_dma2 semaphore(%arg12 : memref<!tpu.dma_semaphore, #tpu.memory_space<semaphore_mem>>) src(%dma_wait3A_30 : memref<1x32xf32, #tpu.memory_space<hbm>>) dst(%arg10 : memref<1x32xf32, #tpu.memory_space<vmem>>)
      "tpu.region"() ({
        %run_scoped3A = tpu.sem_alloc : memref<!tpu.dma_semaphore, #tpu.memory_space<semaphore_mem>>
        tpu.enqueue_dma source(%arg10 : memref<1x32xf32, #tpu.memory_space<vmem>>) target(%arg6 : memref<1x32xf32, #tpu.memory_space<hbm>>) target_semaphore(%run_scoped3A : memref<!tpu.dma_semaphore, #tpu.memory_space<semaphore_mem>>)
        tpu.wait_dma2 semaphore(%run_scoped3A : memref<!tpu.dma_semaphore, #tpu.memory_space<semaphore_mem>>) src(%arg10 : memref<1x32xf32, #tpu.memory_space<vmem>>) dst(%arg6 : memref<1x32xf32, #tpu.memory_space<hbm>>)
        tpu.yield
      }) : () -> ()
    } else {
    }
    return
  }
}

</mosaic_0001>

<sc_bundles>
// kernel: kernel.3.cloned.1.call-start
scs
__scs_entry_jumppad:
0x0: {  	(pc) =	sbr.rel $0x88, $3  }
0x1: {  	(tag) =	ssettag $0x0;
	lr =	simm.s32 $0x1  }
0x2: {  	[smem:$0x3F9E] =	sst lr;
	_ =	strace $0xD0000000  }
0x3: {  	_ = 	snop  }
0x4: {  	_ = 	snop  }
0x5: {  	_ = 	snop  }
0x6: {  	_ = 	snop  }
0x7: {  	_ = 	snop  }
__scs_overlays_trampoline_lowered:
0x8: {  	[smem:$0x3FAD] =	sst s0  }
0x9: {  	[smem:$0x3FAE] =	sst s1  }
0xa: {  	[smem:$0x3FAF] =	sst s2  }
0xb: {  	[smem:$0x3FB0] =	sst s3  }
0xc: {  	[smem:$0x3FB1] =	sst s4  }
0xd: {  	[smem:$0x3FB2] =	sst s5  }
0xe: {  	[smem:$0x3FB3] =	sst s6  }
0xf: {  	[smem:$0x3FB4] =	sst s7  }
0x10: {  	[smem:$0x3FB5] =	sst s8  }
0x11: {  	[smem:$0x3FB6] =	sst s9;
	s0 =	simm.s32 @!p0 $0x0  }
0x12: {  	s1 =	sld [smem:$0x3F9C];
	s0 =	simm.s32 @p0 $0x1  }
0x13: {  	[smem:$0x3FB7] =	sst s0;
	s0 =	simm.s32 @!p1 $0x0  }
0x14: {  	s2 =	sld [smem:$0x3F9B];
	s0 =	simm.s32 @p1 $0x1  }
0x15: {  	[smem:$0x3FB8] =	sst s0;
	s0 =	simm.s32 @!p2 $0x0  }
0x16: {  	s3 =	sld [smem:$0x3FDB];
	s0 =	simm.s32 @p2 $0x1  }
0x17: {  	s4 =	simm.s32 $0x1BF5;
	[smem:$0x3FBA] =	sst s0  }
0x18: {  	s0 =	sld [smem:$0x3F9D];
	_ =	swait.ge [sflag:s4], $0x0  }
0x19: {  	s7 =	sld [smem:$0x3F9E]  }
0x1a: {  	s8 =	sadd.s32 $0xFFFFE003, lr  }
0x1b: {  	s9 =	sadd.s32 $0xFFFFFEF7, lr;
	s5 =	simm.s32 $0xFFFFFFFF;
	p2 =	slt.u32 s8, $0xFFFFF086  }
0x1c: {  	p1 =	slt.u32 s9, $0xF7A;
	s5 =	simm.s32 @!p2 $0x0  }
0x1d: {  	s5 =	simm.s32 @p1 $0x1;
	p0 =	seq.s32 s7, s2  }
0x1e: {  	s7 =	smul.u32 @!p0 $0xF7A, s2;
	p2 =	seq.s32 @!p0 s5, $0x0  }
0x1f: {  	s9 =	smul.u32 $0xF7A, s1;
	s8 =	simm.s32 @!p0 $0x1BF5;
	p2 =	por !p2, p0  }
0x20: {  	[sflag:s8] =	ssyncset.s32 @!p0 $0xFFFFF086;
	s6 =	sadd.s32 @!p0 s3, s7;
	s7 =	simm.s32 @!p0 $0x108  }
0x21: {  	s3 =	sadd.s32 s3, s9;
	s6 =	sadd.s32 @!p0 $0x88, s6;
	s7 =	simm.s32 @p2 $0x1082  }
0x22: {  	[simem:s7], [sflag:s8] =	dma.local @!p0 [hbm:s6], $0xF7A  }
0x23: {  	s9 =	sor.u32 $0xD0000000, s2;
	s6 =	simm.s32 $0x108;
	_ =	swait.ge @!p0 [sflag:s8], $0x0  }
0x24: {  	s3 =	sadd.s32 $0x88, s3;
	s6 =	simm.s32 @!p1 $0x1082;
	[sflag:s4] =	ssyncset.s32 $0xFFFFF086  }
0x25: {  	[simem:s6], [sflag:s4] =	dma.local [hbm:s3], $0xF7A  }
0x26: {  	[smem:$0x3F9E] =	sst s1;
	(tag) =	ssettag s2;
	_ =	strace s9  }
0x27: {  	s1 =	sld [smem:$0x3FAE]  }
0x28: {  	s2 =	sld [smem:$0x3FAF]  }
0x29: {  	s4 =	sld [smem:$0x3FB1]  }
0x2a: {  	p0 =	seq.s32 s5, $0x0;
	s5 =	sld [smem:$0x3FB2]  }
0x2b: {  	s6 =	sld [smem:$0x3FB3]  }
0x2c: {  	s7 =	sld [smem:$0x3FB4]  }
0x2d: {  	s3 =	simm.s32 $0x108;
	s8 =	sld [smem:$0x3FB5]  }
0x2e: {  	s3 =	simm.s32 @!p0 $0x1082;
	s9 =	sld [smem:$0x3FB6]  }
0x2f: {  	lr =	sadd.s32 s0, s3;
	s0 =	sld [smem:$0x3FAD]  }
0x30: {  	s3 =	sld [smem:$0x3FB0]  }
0x31: {  	[smem:$0x3FB9] =	sst s10  }
0x32: {  	s10 =	sld [smem:$0x3FB7];
	_ =	sdelay $0x3  }
0x33: {  	p0 =	seq.s32 s10, $0x1;
	s10 =	sld [smem:$0x3FB9];
	_ =	sdelay $0x3  }
0x34: {  	[smem:$0x3FB9] =	sst s10  }
0x35: {  	s10 =	sld [smem:$0x3FB8];
	_ =	sdelay $0x3  }
0x36: {  	p1 =	seq.s32 s10, $0x1;
	s10 =	sld [smem:$0x3FB9];
	_ =	sdelay $0x3  }
0x37: {  	[smem:$0x3FB9] =	sst s10  }
0x38: {  	s10 =	sld [smem:$0x3FBA]  }
0x39: {  	_ = 	snop;
	(pc) =	sbr.ind lr, $3  }
0x3a: {  	_ = 	snop  }
0x3b: {  	_ = 	snop  }
0x3c: {  	p2 =	seq.s32 s10, $0x1;
	s10 =	sld [smem:$0x3FB9]  }
0x3d: {  	_ =	shalt  }
0x3e: {  	_ =	shalt  }
0x3f: {  	_ =	shalt  }
0x40: {  	_ =	shalt  }
0x41: {  	_ =	shalt  }
0x42: {  	_ =	shalt  }
0x43: {  	_ =	shalt  }
0x44: {  	_ =	shalt  }
0x45: {  	_ =	shalt  }
0x46: {  	_ =	shalt  }
0x47: {  	_ =	shalt  }
0x48: {  	_ =	shalt  }
0x49: {  	_ =	shalt  }
0x4a: {  	_ =	shalt  }
0x4b: {  	_ =	shalt  }
0x4c: {  	_ =	shalt  }
0x4d: {  	_ =	shalt  }
0x4e: {  	_ =	shalt  }
0x4f: {  	_ =	shalt  }
0x50: {  	_ =	shalt  }
0x51: {  	_ =	shalt  }
0x52: {  	_ =	shalt  }
0x53: {  	_ =	shalt  }
0x54: {  	_ =	shalt  }
0x55: {  	_ =	shalt  }
0x56: {  	_ =	shalt  }
0x57: {  	_ =	shalt  }
0x58: {  	_ =	shalt  }
0x59: {  	_ =	shalt  }
0x5a: {  	_ =	shalt  }
0x5b: {  	_ =	shalt  }
0x5c: {  	_ =	shalt  }
0x5d: {  	_ =	shalt  }
0x5e: {  	_ =	shalt  }
0x5f: {  	_ =	shalt  }
0x60: {  	_ =	shalt  }
0x61: {  	_ =	shalt  }
0x62: {  	_ =	shalt  }
0x63: {  	_ =	shalt  }
0x64: {  	_ =	shalt  }
0x65: {  	_ =	shalt  }
0x66: {  	_ =	shalt  }
0x67: {  	_ =	shalt  }
0x68: {  	_ =	shalt  }
0x69: {  	_ =	shalt  }
0x6a: {  	_ =	shalt  }
0x6b: {  	_ =	shalt  }
0x6c: {  	_ =	shalt  }
0x6d: {  	_ =	shalt  }
0x6e: {  	_ =	shalt  }
0x6f: {  	_ =	shalt  }
0x70: {  	_ =	shalt  }
0x71: {  	_ =	shalt  }
0x72: {  	_ =	shalt  }
0x73: {  	_ =	shalt  }
0x74: {  	_ =	shalt  }
0x75: {  	_ =	shalt  }
0x76: {  	_ =	shalt  }
0x77: {  	_ =	shalt  }
0x78: {  	_ =	shalt  }
0x79: {  	_ =	shalt  }
0x7a: {  	_ =	shalt  }
0x7b: {  	_ =	shalt  }
0x7c: {  	_ =	shalt  }
0x7d: {  	_ =	shalt  }
0x7e: {  	_ =	shalt  }
0x7f: {  	_ =	shalt  }
0x80: {  	_ =	shalt  }
0x81: {  	_ =	shalt  }
0x82: {  	_ =	shalt  }
0x83: {  	_ =	shalt  }
0x84: {  	_ =	shalt  }
0x85: {  	_ =	shalt  }
0x86: {  	_ =	shalt  }
0x87: {  	_ =	shalt  }
.Lfunc_end0:
.L_simem_size_0:
called_computation_lowered:
.L_overlay_start_0:
0x88: {  	s2 =	sld [smem:$0x3FD9]  }
0x89: {  	s3 =	sld [smem:$0x3FFE];
	_ =	sdelay $0x1  }
0x8a: {  	s1 =	srdreg.scid  }
0x8b: {  	s0 =	sand.u32 $0x1, s1  }
0x8c: {  	s14 =	sshll.u32 s0, $0xA;
	s2 =	sadd.s32 s3, s2  }
0x8d: {  	s2 =	sadd.s32 s2, s14  }
0x8e: {  	[smem:$0x3FC5] =	sst s2  }
0x8f: {  	_ = 	snop  }
0x90: {  	s2 =	sld [smem:$0x3FD0];
	_ =	sdelay $0x1  }
0x91: {  	s15 =	sld [smem:$0x3FC9]  }
0x92: {  	s5 =	simm.s32 $0xA;
	s6 =	simm.s32 $0x10;
	s4 =	sld [smem:$0x3FC8]  }
0x93: {  	[smem:s6], [sflag:s5] =	dma.local [hbm:s2], $0x1  }
0x94: {  	_ =	swait.eq [sflag:s5], $0x1  }
0x95: {  	[sflag:s5] =	ssyncset.done $0x0  }
0x96: {  	[sflag:s5] =	ssyncadd.s32 $0xFFFFFFFF  }
0x97: {  	s16 =	sld [smem:$0x11];
	(tm) =	ssettm $0x1  }
0x98: {  	s17 =	sld [smem:$0x3FFB];
	_ =	sdelay $0x3  }
0x99: {  	_ =	strace s17  }
0x9a: {  	s5 =	sld [smem:$0x3FFC];
	_ =	sdelay $0x3  }
0x9b: {  	_ =	strace s5  }
0x9c: {  	s5 =	sld [smem:$0x3FFD];
	_ =	sdelay $0x3  }
0x9d: {  	_ =	strace s5  }
0x9e: {  	_ =	strace $0x8FFFFFFF  }
0x9f: {  	s18 =	sld [smem:$0x3FDB];
	_ =	sdelay $0x1  }
0xa0: {  	s19 =	simm.s32 $_scs_section_size  }
0xa1: {  	s7 =	simm.s32 $_size__tile_overlayer_lowered;
	s8 =	simm.s32 $_tile_overlayer_lowered  }
0xa2: {  	s22 =	simm.s32 $0x1BFF;
	s21 =	sshll.u32 s8, $0x1;
	s5 =	sadd.s32 s19, s18  }
0xa3: {  	s9 =	simm.s32 $0x0;
	s20 =	sshll.u32 s7, $0x1;
	s7 =	sadd.s32 s21, s5  }
0xa4: {  	[timem:s9], [sflag:s22] =	dma.local [hbm:s7], s20  }
0xa5: {  	_ =	swait.ge [sflag:s22], s20  }
0xa6: {  	s6 =	ssub.s32 $0x0, s20;
	[sflag:s22] =	ssyncset.done $0x0  }
0xa7: {  	[sflag:s22] =	ssyncadd.s32 s6;
	_ =	sdelay $0x1  }
0xa8: {  	s23 =	simm.s32 $0x1B8B  }
0xa9: {  	_ =	swait.ge [sflag:s23], $0x1  }
0xaa: {  	[sflag:s23] =	ssyncset.done $0x0  }
0xab: {  	s25 =	simm.s32 $0x1B8E;
	s24 =	sld [smem:$0x3FFE];
	[sflag:s23] =	ssyncadd.s32 $0xFFFFFFFF  }
0xac: {  	s26 =	simm.s32 $execute0_lowered;
	[smem:$0x3FD2] =	sst s25  }
0xad: {  	s7 =	sshll.u32 s26, $0x1;
	_ =	strace $0x80000046;
	[dreg:$0x1] =	wrdreg $0xFFFFFFFF  }
0xae: {  	s28 =	simm.s32 $_size_execute0_lowered;
	s5 =	sadd.s32 s5, s7;
	[dreg:$0x0] =	wrdreg $0x0  }
0xaf: {  	s7 =	sshll.u32 s28, $0x1;
	[dreg:$0x2] =	wrdreg s5  }
0xb0: {  	[dreg:$0x3] =	wrdreg s7  }
0xb1: {  	[dreg:$0x4] =	wrdreg $0xC0  }
0xb2: {  	_ =	task [dreg:s9], $0x5FFFF  }
0xb3: {  	[dreg:$0x1] =	wrdreg $0xFFFFFFFF  }
0xb4: {  	[dreg:$0x0] =	wrdreg $0x60  }
0xb5: {  	[dreg:$0x2] =	wrdreg s15  }
0xb6: {  	[dreg:$0x3] =	wrdreg s4  }
0xb7: {  	[dreg:$0x4] =	wrdreg s24  }
0xb8: {  	[dreg:$0x5] =	wrdreg s16  }
0xb9: {  	[dreg:$0x6] =	wrdreg $0x9  }
0xba: {  	_ =	task.clear_ibuf [dreg:s9], $0x7FFFF;
	_ =	strace $0x90000046  }
0xbb: {  	s29 =	simm.s32 $0x9;
	_ =	strace $0x80000048  }
0xbc: {  	_ =	swait.ge [sflag:s29], $0x1  }
0xbd: {  	[sflag:s29] =	ssyncadd.s32 $0xFFFFFFFF  }
0xbe: {  	_ =	strace $0x90000048  }
0xbf: {  	_ =	sfence  }
0xc0: {  	s30 =	sld [smem:$0x0];
	_ =	sdelay $0x2  }
0xc1: {  	s31 =	sshll.u32 s1, $0xD;
	s1 =	sshrl.u32 s1, $0x2  }
0xc2: {  	s3 =	sand.u32 $0x4000, s31;
	s1 =	sadd.s32 s1, s30  }
0xc3: {  	s0 =	sor.u32 s3, s0;
	s1 =	sshll.u32 s1, $0x11  }
0xc4: {  	s0 =	sor.u32 s1, s0  }
0xc5: {  	s0 =	sadd.s32 $0x8F2B, s0  }
0xc6: {  	[sflag:s0] =	ssyncadd.remote.s32 $0x1  }
0xc7: {  	_ =	sfence.sel $0xFFFF  }
0xc8: {  	[dreg:$0x0] =	wrdreg $0xFFFFFFFF;
	(pc) =	sbr.abs _section_cstart, $3  }
0xc9: {  	[dreg:$0x1] =	wrdreg $0xFFFFFFFF  }
0xca: {  	_ =	task.clear_ibuf [dreg:s9], $0x2FFFF;
	_ =	strace $0x9FFFFFFF  }
0xcb: {  	(tm) =	ssettm $0x7FFFFFFF  }
tec
execute0_lowered:
.L_overlay_start_1:
0x0: {  	(tag) =	ssettag $0x1  }
0x1: {  	s6 =	rddreg [dreg:$0x0]  }
0x2: {  	s7 =	rddreg [dreg:$0x2]  }
0x3: {  	s3 =	rddreg [dreg:$0x3]  }
0x4: {  	s4 =	simm.s32 $0x0;
	s5 =	srdreg.scid;
	s0 =	stileid.u32  }
0x5: {  	s12 =	simm.s32 $0x3;
	s13 =	simm.s32 $0x0;
	[smem:$0x7FF] =	sst s4  }
0x6: {  	s5 =	sand.u32 $0x1, s5;
	s8 =	sshll.u32 s0, $0x1;
	_ =	strace $0x80000047  }
0x7: {  	s9 =	sor.u32 s5, s8;
	s30 =	ssub.s32 $0x2, s5;
	s5 =	sadd.s32 $0x800, s7  }
0x8: {  	s10 =	sshll.u32 s9, $0xD;
	s11 =	sshrl.u32 s30, $0x1;
	s31 =	sshll.u32 s9, $0x6  }
0x9: {  	p0 =	sne.s32 s9, $0x0;
	s9 =	simm.s32 $0x4;
	s7 =	sadd.s32 s10, s7  }
0xa: {  	s8 =	ssub.s32 s30, s11;
	s6 =	sadd.s32 s6, s31;
	s10 =	simm.s32 $0x1  }
0xb: {  	s11 =	simm.s32 $0x280;
	s7 =	sadd.s32 $0x187200, s7;
	s8 =	smax.u32 s8, $0x1  }
.LBB2_1:
0xc: {  	[tilespmem:s4], [sflag:$0x4] =	stream.linear.gather [hbm4b:s6+s4], $0x200, $0x38;
	[tilespmem:$0x10300] =	vst v63  }
0xd: {  	_ =	swait.ge [sflag:s9], $0x200  }
0xe: {  	[sflag:s9] =	ssyncset.done $0x0  }
0xf: {  	[sflag:s9] =	ssyncadd.s32 $0xFFFFFE00  }
0x10: {  	s14 =	simm.s32 @!p0 $0x0;
	s15 =	simm.s32 @!p0 $0x200;
	s0 =	rddreg [dreg:$0x1]  }
0x11: {  	[tilespmem:s15], [sflag:$0x4] =	stream.linear.gather @!p0 [hbm4b:s0+s14], $0x1, $0x38;
	[tilespmem:$0x10300] =	vst v63  }
0x12: {  	s15 =	simm.s32 @!p0 $0x4  }
0x13: {  	_ =	swait.ge @!p0 [sflag:s15], $0x1  }
0x14: {  	[sflag:s15] =	ssyncset.done @!p0 $0x0  }
0x15: {  	[sflag:s15] =	ssyncadd.s32 @!p0 $0xFFFFFFFF  }
0x16: {  	v0 =	vld @!p0 [tilespmem:$0x200];
	_ =	sdelay $0x4  }
0x17: {  	(v2sf) =	vpush @!p0 v0, $0x0;
	_ =	sdelay $0xe  }
0x18: {  	s15 =	spop @!p0 (v2sf)  }
0x19: {  	s15 =	sshll.u32 @!p0 s15, $0x4  }
0x1a: {  	s15 =	sand.u32 @!p0 $0x1FFFFFF0, s15  }
0x1b: {  	s16 =	simm.s32 @!p0 $0x10280;
	s15 =	sadd.s32 @!p0 s5, s15  }
0x1c: {  	[tilespmem:s16], [sflag:$0x2] =	stream.linear.gather @!p0 [hbm4b:s15+s14], $0x80, $0x38;
	[tilespmem:$0x10300] =	vst v63  }
0x1d: {  	v0 =	vld [tilespmem:s4+$0x0];
	_ =	sdelay $0x4  }
0x1e: {  	v0 =	vshll.u32 v0, $0x4  }
0x1f: {  	(v2sf) =	vpush v0, $0x0  }
0x20: {  	(v2sf) =	vpush v0, $0x1  }
0x21: {  	(v2sf) =	vpush v0, $0x2;
	_ =	sdelay $0x1  }
0x22: {  	(v2sf) =	vpush v0, $0x4;
	_ =	sdelay $0x1  }
0x23: {  	(v2sf) =	vpush v0, $0x3  }
0x24: {  	(v2sf) =	vpush v0, $0x5  }
0x25: {  	s15 =	simm.s32 $0x2000;
	s14 =	simm.s32 $0x0;
	s16 =	simm.s32 $0x0;
	(v2sf) =	vpush v0, $0x6  }
.LBB2_2:
0x26: {  	p1 =	sne.s32 s15, $0x3E000  }
0x27: {  	s26 =	sadd.s32 $0x300, s14;
	s20 =	sadd.s32 $0x800, s14;
	s17 =	smov.u32 s15  }
0x28: {  	s15 =	sadd.s32 $0x2000, s15;
	s23 =	sadd.s32 $0x600, s14;
	s18 =	sadd.s32 $0x880, s14;
	(v2sf) =	vpush v0, $0x7  }
0x29: {  	s25 =	sadd.s32 $0x500, s14;
	s22 =	sadd.s32 $0x680, s14;
	s19 =	sadd.s32 $0x900, s14  }
0x2a: {  	s28 =	sadd.s32 $0x280, s14;
	s29 =	sadd.s32 $0x480, s14;
	(v2sf) =	vpush v0, $0x8  }
0x2b: {  	s30 =	sadd.s32 $0x580, s14;
	s16 =	sadd.s32 $0x10, s16  }
0x2c: {  	s31 =	sadd.s32 $0x380, s14;
	s21 =	sadd.s32 $0x780, s14;
	s24 =	spop (v2sf);
	(v2sf) =	vpush v0, $0x9  }
0x2d: {  	s0 =	sand.u32 $0x1FFFFFF0, s24;
	s24 =	sadd.s32 $0x700, s14;
	s2 =	spop (v2sf)  }
0x2e: {  	s0 =	sadd.s32 s5, s0;
	s2 =	sand.u32 $0x1FFFFFF0, s2;
	s1 =	spop (v2sf);
	(v2sf) =	vpush v0, $0xA  }
0x2f: {  	[tilespmem:s28], [sflag:$0x1] =	stream.linear.gather [hbm4b:s0+s4], $0x80, $0x38;
	[tilespmem:$0x10300] =	vst v63  }
0x30: {  	s0 =	sadd.s32 s5, s2;
	s2 =	sadd.s32 $0x400, s14;
	s28 =	spop (v2sf);
	(v2sf) =	vpush v0, $0xB  }
0x31: {  	[tilespmem:s26], [sflag:$0x1] =	stream.linear.gather [hbm4b:s0+s4], $0x80, $0x38;
	[tilespmem:$0x10300] =	vst v63  }
0x32: {  	s0 =	sand.u32 $0x1FFFFFF0, s1;
	s1 =	sand.u32 $0x1FFFFFF0, s28;
	s26 =	spop (v2sf);
	(v2sf) =	vpush v0, $0xC  }
0x33: {  	s0 =	sadd.s32 s5, s0;
	s26 =	sand.u32 $0x1FFFFFF0, s26;
	s28 =	spop (v2sf)  }
0x34: {  	[tilespmem:s31], [sflag:$0x1] =	stream.linear.gather [hbm4b:s0+s4], $0x80, $0x38;
	(v2sf) =	vpush v0, $0xD;
	[tilespmem:$0x10300] =	vst v63  }
0x35: {  	s0 =	sadd.s32 s5, s26;
	s26 =	sand.u32 $0x1FFFFFF0, s28;
	s28 =	spop (v2sf)  }
0x36: {  	[tilespmem:s2], [sflag:$0x1] =	stream.linear.gather [hbm4b:s0+s4], $0x80, $0x38;
	(v2sf) =	vpush v0, $0xE;
	[tilespmem:$0x10300] =	vst v63  }
0x37: {  	s0 =	sadd.s32 s5, s1;
	s1 =	sand.u32 $0x1FFFFFF0, s28;
	s2 =	spop (v2sf)  }
0x38: {  	[tilespmem:s29], [sflag:$0x1] =	stream.linear.gather [hbm4b:s0+s4], $0x80, $0x38;
	(v2sf) =	vpush v0, $0xF;
	[tilespmem:$0x10300] =	vst v63  }
0x39: {  	s0 =	sadd.s32 s5, s26;
	s2 =	sand.u32 $0x1FFFFFF0, s2;
	s26 =	spop (v2sf)  }
0x3a: {  	[tilespmem:s25], [sflag:$0x1] =	stream.linear.gather [hbm4b:s0+s4], $0x80, $0x38;
	[tilespmem:$0x10300] =	vst v63  }
0x3b: {  	s0 =	sadd.s32 s5, s1;
	s1 =	sand.u32 $0x1FFFFFF0, s26;
	s25 =	spop (v2sf)  }
0x3c: {  	[tilespmem:s30], [sflag:$0x1] =	stream.linear.gather [hbm4b:s0+s4], $0x80, $0x38;
	[tilespmem:$0x10300] =	vst v63  }
0x3d: {  	s0 =	sadd.s32 s5, s2;
	s2 =	sand.u32 $0x1FFFFFF0, s25;
	s25 =	spop (v2sf)  }
0x3e: {  	[tilespmem:s23], [sflag:$0x1] =	stream.linear.gather [hbm4b:s0+s4], $0x80, $0x38;
	[tilespmem:$0x10300] =	vst v63  }
0x3f: {  	s0 =	sadd.s32 s5, s1;
	s1 =	sand.u32 $0x1FFFFFF0, s25;
	s23 =	spop (v2sf)  }
0x40: {  	[tilespmem:s22], [sflag:$0x1] =	stream.linear.gather [hbm4b:s0+s4], $0x80, $0x38;
	[tilespmem:$0x10300] =	vst v63  }
0x41: {  	s0 =	sadd.s32 s5, s2;
	s2 =	sand.u32 $0x1FFFFFF0, s23;
	s22 =	spop (v2sf)  }
0x42: {  	[tilespmem:s24], [sflag:$0x1] =	stream.linear.gather [hbm4b:s0+s4], $0x80, $0x38;
	[tilespmem:$0x10300] =	vst v63  }
0x43: {  	s0 =	sadd.s32 s5, s1;
	s1 =	sand.u32 $0x1FFFFFF0, s22;
	s22 =	spop (v2sf)  }
0x44: {  	[tilespmem:s21], [sflag:$0x1] =	stream.linear.gather [hbm4b:s0+s4], $0x80, $0x38;
	[tilespmem:$0x10300] =	vst v63  }
0x45: {  	s0 =	sadd.s32 s5, s2;
	s2 =	sand.u32 $0x1FFFFFF0, s22;
	s21 =	spop (v2sf)  }
0x46: {  	[tilespmem:s20], [sflag:$0x1] =	stream.linear.gather [hbm4b:s0+s4], $0x80, $0x38;
	[tilespmem:$0x10300] =	vst v63  }
0x47: {  	s0 =	sadd.s32 s5, s1;
	s1 =	sand.u32 $0x1FFFFFF0, s21;
	s20 =	spop (v2sf)  }
0x48: {  	[tilespmem:s18], [sflag:$0x1] =	stream.linear.gather [hbm4b:s0+s4], $0x80, $0x38;
	[tilespmem:$0x10300] =	vst v63  }
0x49: {  	s0 =	sadd.s32 s5, s2;
	s2 =	sand.u32 $0x1FFFFFF0, s20  }
0x4a: {  	[tilespmem:s19], [sflag:$0x1] =	stream.linear.gather [hbm4b:s0+s4], $0x80, $0x38;
	[tilespmem:$0x10300] =	vst v63  }
0x4b: {  	s1 =	sadd.s32 s5, s1;
	s0 =	sadd.s32 $0x980, s14  }
0x4c: {  	[tilespmem:s0], [sflag:$0x1] =	stream.linear.gather [hbm4b:s1+s4], $0x80, $0x38;
	[tilespmem:$0x10300] =	vst v63  }
0x4d: {  	s0 =	sadd.s32 $0xA00, s14;
	s1 =	sadd.s32 s5, s2  }
0x4e: {  	[tilespmem:s0], [sflag:$0x1] =	stream.linear.gather [hbm4b:s1+s4], $0x80, $0x38;
	[tilespmem:$0x10300] =	vst v63  }
0x4f: {  	v0 =	vld [tilespmem:s16+$0x0];
	_ =	sdelay $0x4  }
0x50: {  	v0 =	vshll.u32 v0, $0x4  }
0x51: {  	(v2sf) =	vpush v0, $0x0  }
0x52: {  	(v2sf) =	vpush v0, $0x1  }
0x53: {  	(v2sf) =	vpush v0, $0x2;
	_ =	sdelay $0x1  }
0x54: {  	(v2sf) =	vpush v0, $0x4  }
.Ltmp0:
0x55: {  	(pc) =	sbr.rel @p1 .LBB2_2-.Ltmp0, $3  }
0x56: {  	(v2sf) =	vpush v0, $0x3  }
0x57: {  	(v2sf) =	vpush v0, $0x5;
	_ =	sdelay $0x1  }
0x58: {  	s14 =	sshra.s32 s17, $0x2;
	(v2sf) =	vpush v0, $0x6  }
0x59: {  	_ =	sdelay $0x1  }
0x5a: {  	s0 =	sadd.s32 $0x300, s14;
	s17 =	sadd.s32 $0x800, s14  }
0x5b: {  	s1 =	sadd.s32 $0x600, s14;
	s15 =	sadd.s32 $0x880, s14;
	(v2sf) =	vpush v0, $0x7;
	s2 =	sadd.s32 $0x500, s14  }
0x5c: {  	s18 =	sadd.s32 $0x680, s14;
	s16 =	sadd.s32 $0x900, s14;
	s19 =	sadd.s32 $0x280, s14  }
0x5d: {  	s20 =	sadd.s32 $0x480, s14;
	s21 =	sadd.s32 $0x580, s14;
	(v2sf) =	vpush v0, $0x8;
	s22 =	spop (v2sf)  }
0x5e: {  	s23 =	sadd.s32 $0x380, s14;
	s22 =	sand.u32 $0x1FFFFFF0, s22;
	s24 =	spop (v2sf)  }
0x5f: {  	(v2sf) =	vpush v0, $0x9;
	s22 =	sadd.s32 s5, s22;
	s24 =	sand.u32 $0x1FFFFFF0, s24;
	s25 =	spop (v2sf)  }
0x60: {  	[tilespmem:s19], [sflag:$0x1] =	stream.linear.gather [hbm4b:s22+s4], $0x80, $0x38;
	[tilespmem:$0x10300] =	vst v63  }
0x61: {  	(v2sf) =	vpush v0, $0xA;
	s26 =	sadd.s32 s5, s24;
	s29 =	sand.u32 $0x1FFFFFF0, s25;
	s28 =	spop (v2sf)  }
0x62: {  	[tilespmem:s0], [sflag:$0x1] =	stream.linear.gather [hbm4b:s26+s4], $0x80, $0x38;
	[tilespmem:$0x10300] =	vst v63  }
0x63: {  	s19 =	sadd.s32 $0x780, s14;
	(v2sf) =	vpush v0, $0xB;
	s22 =	sadd.s32 s5, s29;
	s30 =	spop (v2sf)  }
0x64: {  	s0 =	sadd.s32 $0x700, s14;
	s26 =	sadd.s32 $0x400, s14;
	s25 =	sand.u32 $0x1FFFFFF0, s30  }
0x65: {  	(v2sf) =	vpush v0, $0xC;
	[tilespmem:s23], [sflag:$0x1] =	stream.linear.gather [hbm4b:s22+s4], $0x80, $0x38;
	[tilespmem:$0x10300] =	vst v63  }
0x66: {  	s31 =	sand.u32 $0x1FFFFFF0, s28;
	s28 =	spop (v2sf);
	s29 =	sadd.s32 s5, s25  }
0x67: {  	(v2sf) =	vpush v0, $0xD;
	[tilespmem:s26], [sflag:$0x1] =	stream.linear.gather [hbm4b:s29+s4], $0x80, $0x38;
	[tilespmem:$0x10300] =	vst v63  }
0x68: {  	s22 =	sadd.s32 s5, s31;
	s23 =	sand.u32 $0x1FFFFFF0, s28;
	s30 =	spop (v2sf)  }
0x69: {  	(v2sf) =	vpush v0, $0xE;
	[tilespmem:s20], [sflag:$0x1] =	stream.linear.gather [hbm4b:s22+s4], $0x80, $0x38;
	[tilespmem:$0x10300] =	vst v63  }
0x6a: {  	s23 =	sadd.s32 s5, s23;
	s31 =	sand.u32 $0x1FFFFFF0, s30;
	s24 =	spop (v2sf)  }
0x6b: {  	(v2sf) =	vpush v0, $0xF;
	[tilespmem:s2], [sflag:$0x1] =	stream.linear.gather [hbm4b:s23+s4], $0x80, $0x38;
	[tilespmem:$0x10300] =	vst v63  }
0x6c: {  	s25 =	sand.u32 $0x1FFFFFF0, s24;
	s26 =	spop (v2sf);
	s20 =	sadd.s32 s5, s31  }
0x6d: {  	[tilespmem:s21], [sflag:$0x1] =	stream.linear.gather [hbm4b:s20+s4], $0x80, $0x38;
	[tilespmem:$0x10300] =	vst v63  }
0x6e: {  	s28 =	sand.u32 $0x1FFFFFF0, s26;
	s2 =	sadd.s32 s5, s25;
	s29 =	spop (v2sf)  }
0x6f: {  	[tilespmem:s1], [sflag:$0x1] =	stream.linear.gather [hbm4b:s2+s4], $0x80, $0x38;
	[tilespmem:$0x10300] =	vst v63  }
0x70: {  	s20 =	sadd.s32 s5, s28;
	s30 =	sand.u32 $0x1FFFFFF0, s29;
	s31 =	spop (v2sf)  }
0x71: {  	[tilespmem:s18], [sflag:$0x1] =	stream.linear.gather [hbm4b:s20+s4], $0x80, $0x38;
	[tilespmem:$0x10300] =	vst v63  }
0x72: {  	s2 =	sand.u32 $0x1FFFFFF0, s31;
	s1 =	sadd.s32 s5, s30;
	s20 =	spop (v2sf)  }
0x73: {  	[tilespmem:s0], [sflag:$0x1] =	stream.linear.gather [hbm4b:s1+s4], $0x80, $0x38;
	[tilespmem:$0x10300] =	vst v63  }
0x74: {  	s2 =	sadd.s32 s5, s2;
	s21 =	sand.u32 $0x1FFFFFF0, s20;
	s22 =	spop (v2sf)  }
0x75: {  	[tilespmem:s19], [sflag:$0x1] =	stream.linear.gather [hbm4b:s2+s4], $0x80, $0x38;
	[tilespmem:$0x10300] =	vst v63  }
0x76: {  	s0 =	sadd.s32 s5, s21;
	s1 =	sand.u32 $0x1FFFFFF0, s22;
	s23 =	spop (v2sf)  }
0x77: {  	[tilespmem:s17], [sflag:$0x1] =	stream.linear.gather [hbm4b:s0+s4], $0x80, $0x38;
	[tilespmem:$0x10300] =	vst v63  }
0x78: {  	s24 =	sand.u32 $0x1FFFFFF0, s23;
	s1 =	sadd.s32 s5, s1;
	s25 =	spop (v2sf)  }
0x79: {  	[tilespmem:s15], [sflag:$0x1] =	stream.linear.gather [hbm4b:s1+s4], $0x80, $0x38;
	[tilespmem:$0x10300] =	vst v63  }
0x7a: {  	s26 =	sand.u32 $0x1FFFFFF0, s25;
	s28 =	spop (v2sf);
	s0 =	sadd.s32 s5, s24  }
0x7b: {  	[tilespmem:s16], [sflag:$0x1] =	stream.linear.gather [hbm4b:s0+s4], $0x80, $0x38;
	[tilespmem:$0x10300] =	vst v63  }
0x7c: {  	s30 =	sadd.s32 $0x980, s14;
	s29 =	sand.u32 $0x1FFFFFF0, s28;
	s1 =	sadd.s32 s5, s26  }
0x7d: {  	[tilespmem:s30], [sflag:$0x1] =	stream.linear.gather [hbm4b:s1+s4], $0x80, $0x38;
	[tilespmem:$0x10300] =	vst v63  }
0x7e: {  	s31 =	sadd.s32 $0xA00, s14;
	s0 =	sadd.s32 s5, s29  }
0x7f: {  	[tilespmem:s31], [sflag:$0x1] =	stream.linear.gather [hbm4b:s0+s4], $0x80, $0x38;
	[tilespmem:$0x10300] =	vst v63  }
0x80: {  	_ =	swait.ge [sflag:s10], $0x80  }
0x81: {  	[sflag:s10] =	ssyncset.done $0x0  }
0x82: {  	[sflag:s10] =	ssyncadd.s32 $0xFFFFFF80  }
0x83: {  	_ =	swait.ge [sflag:s10], $0x80  }
0x84: {  	[sflag:s10] =	ssyncset.done $0x0  }
0x85: {  	[sflag:s10] =	ssyncadd.s32 $0xFFFFFF80  }
0x86: {  	_ =	swait.ge [sflag:s10], $0x80  }
0x87: {  	[sflag:s10] =	ssyncset.done $0x0  }
0x88: {  	[sflag:s10] =	ssyncadd.s32 $0xFFFFFF80  }
0x89: {  	_ =	swait.ge [sflag:s10], $0x80  }
0x8a: {  	[sflag:s10] =	ssyncset.done $0x0  }
0x8b: {  	[sflag:s10] =	ssyncadd.s32 $0xFFFFFF80  }
0x8c: {  	_ =	swait.ge [sflag:s10], $0x80  }
0x8d: {  	[sflag:s10] =	ssyncset.done $0x0  }
0x8e: {  	[sflag:s10] =	ssyncadd.s32 $0xFFFFFF80  }
0x8f: {  	_ =	swait.ge [sflag:s10], $0x80  }
0x90: {  	[sflag:s10] =	ssyncset.done $0x0  }
0x91: {  	[sflag:s10] =	ssyncadd.s32 $0xFFFFFF80  }
0x92: {  	_ =	swait.ge [sflag:s10], $0x80  }
0x93: {  	[sflag:s10] =	ssyncset.done $0x0  }
0x94: {  	[sflag:s10] =	ssyncadd.s32 $0xFFFFFF80  }
0x95: {  	_ =	swait.ge [sflag:s10], $0x80  }
0x96: {  	s14 =	simm.s32 $0x0;
	[sflag:s10] =	ssyncset.done $0x0  }
.LBB2_4:
0x97: {  	s14 =	sadd.s32 $0x8, s14;
	[sflag:s10] =	ssyncadd.s32 $0xFFFFFF80  }
0x98: {  	_ =	swait.ge [sflag:s10], $0x80;
	p1 =	slt.u32 s14, $0x1F8  }
0x99: {  	[sflag:s10] =	ssyncset.done $0x0  }
0x9a: {  	[sflag:s10] =	ssyncadd.s32 $0xFFFFFF80  }
0x9b: {  	_ =	swait.ge [sflag:s10], $0x80  }
0x9c: {  	[sflag:s10] =	ssyncset.done $0x0  }
0x9d: {  	[sflag:s10] =	ssyncadd.s32 $0xFFFFFF80  }
0x9e: {  	_ =	swait.ge [sflag:s10], $0x80  }
0x9f: {  	[sflag:s10] =	ssyncset.done $0x0  }
0xa0: {  	[sflag:s10] =	ssyncadd.s32 $0xFFFFFF80  }
0xa1: {  	_ =	swait.ge [sflag:s10], $0x80  }
0xa2: {  	[sflag:s10] =	ssyncset.done $0x0  }
0xa3: {  	[sflag:s10] =	ssyncadd.s32 $0xFFFFFF80  }
0xa4: {  	_ =	swait.ge [sflag:s10], $0x80  }
0xa5: {  	[sflag:s10] =	ssyncset.done $0x0  }
0xa6: {  	[sflag:s10] =	ssyncadd.s32 $0xFFFFFF80  }
0xa7: {  	_ =	swait.ge [sflag:s10], $0x80  }
0xa8: {  	[sflag:s10] =	ssyncset.done $0x0  }
0xa9: {  	[sflag:s10] =	ssyncadd.s32 $0xFFFFFF80  }
.Ltmp1:
0xaa: {  	_ =	swait.ge [sflag:s10], $0x80;
	(pc) =	sbr.rel @p1 .LBB2_4-.Ltmp1, $4  }
0xab: {  	[sflag:s10] =	ssyncset.done $0x0  }
0xac: {  	[sflag:s10] =	ssyncadd.s32 $0xFFFFFF80  }
0xad: {  	_ =	swait.ge [sflag:s10], $0x80  }
0xae: {  	[sflag:s10] =	ssyncset.done $0x0  }
0xaf: {  	[sflag:s10] =	ssyncadd.s32 $0xFFFFFF80  }
0xb0: {  	[hbm4b:s7+s4] =	stream.linear.scatter [tilespmem:s11], [sflag:$0x3], $0x10000, $0x38;
	[tilespmem:$0x10300] =	vst v63  }
0xb1: {  	_ =	swait.ge [sflag:s12], $0x10000  }
0xb2: {  	[sflag:s12] =	ssyncset.done $0x0  }
0xb3: {  	s0 =	simm.s32 @!p0 $0x2;
	[sflag:s12] =	ssyncadd.s32 $0xFFFF0000  }
0xb4: {  	_ =	swait.ge @!p0 [sflag:s0], $0x80  }
0xb5: {  	s1 =	simm.s32 @!p0 $0x10280;
	s13 =	sadd.s32 $0x1, s13;
	[sflag:s0] =	ssyncset.done @!p0 $0x0  }
0xb6: {  	p1 =	sne.s32 s13, s8;
	[sflag:s0] =	ssyncadd.s32 @!p0 $0xFFFFFF80;
	s0 =	simm.s32 @!p0 $0x0  }
0xb7: {  	[hbm4b:s3+s0] =	stream.linear.scatter @!p0 [tilespmem:s1], [sflag:$0x4], $0x80, $0x38;
	[tilespmem:$0x10300] =	vst v63  }
.Ltmp2:
0xb8: {  	_ = 	snop;
	(pc) =	sbr.rel @p1 .LBB2_1-.Ltmp2, $4  }
0xb9: {  	s0 =	simm.s32 @!p0 $0x4  }
0xba: {  	_ =	swait.ge @!p0 [sflag:s0], $0x80  }
0xbb: {  	[sflag:s0] =	ssyncset.done @!p0 $0x0  }
0xbc: {  	[sflag:s0] =	ssyncadd.s32 @!p0 $0xFFFFFF80  }
0xbd: {  	_ =	sfence.sel $0x180000  }
0xbe: {  	[bflag:$0x0] =	sbarrier.arrive $0xFFFF  }
0xbf: {  	_ =	strace $0x90000047  }
0xc0: {  	s0 =	stileid.u32;
	[bflag:$0x2] =	sbarrier.arrive $0xFFFF  }
0xc1: {  	p0 =	sne.s32 s0, $0x0;
	s0 =	rddreg [dreg:$0x4]  }
0xc2: {  	s0 =	sadd.s32 @!p0 $0x100000, s0  }
0xc3: {  	[sflag:s0] =	ssyncadd.tile.s32 @!p0 $0x1;
	_ =	shalt  }
.Lfunc_end2:
_tile_overlayer_lowered:
.L_overlay_start_2:
0xc4: {  	(tag) =	ssettag $0x2  }
0xc5: {  	s0 =	rddreg [dreg:$0x0];
	s2 =	stileid.u32  }
0xc6: {  	s1 =	rddreg [dreg:$0x1];
	p0 =	sne.s32 s2, $0x0  }
0xc7: {  	s3 =	rddreg [dreg:$0x2];
	[bflag:$0x3] =	sbarrier.arrive $0xFFFF;
	s2 =	simm.s32 @!p0 $0x1C04  }
0xc8: {  	[timem:s3], [sflag:s2] =	dma.local @!p0 [hbm:s0], s1  }
0xc9: {  	s0 =	simm.s32 @!p0 $0x4  }
0xca: {  	_ =	swait.ge @!p0 [sflag:s0], s1  }
0xcb: {  	s1 =	ssub.s32 @!p0 $0x0, s1;
	[sflag:s0] =	ssyncset.done @!p0 $0x0  }
0xcc: {  	[sflag:s0] =	ssyncadd.s32 @!p0 s1  }
0xcd: {  	[bflag:$0x3] =	sbarrier.arrive $0xFFFF  }
0xce: {  	_ =	shalt  }

</sc_bundles>
